<compile_context>
chip_gen: v7x
topology: tpu7x:2x2x1
jax: 0.10.2.dev20260603
libtpu: 0.0.44.dev20260713+nightly
codegen_flags: <defaults>
</compile_context>

<pallas_src>
import functools

import jax
import jax.numpy as jnp
from jax import lax
from jax.experimental import pallas as pl
from jax.experimental.pallas import tpu as pltpu
from jax.experimental.pallas import tpu_sc as plsc

VOCAB = 100277
EMBED = 64
SEQ = 32
BATCH = 4096

N_FLAT = BATCH * SEQ
N_PAIR = N_FLAT // 2
NW = 32
ROWS_PER_W = N_FLAT // NW
PAIRS_PER_W = N_PAIR // NW
CH = 128
NCH = ROWS_PER_W // CH


NCHP = PAIRS_PER_W // CH
BPW = BATCH // NW
SEQH = SEQ // 2


def _sc_gather(table, x, nbatch):
  mesh = plsc.VectorSubcoreMesh(core_axis_name="c", subcore_axis_name="s")

  npair = nbatch * SEQ // 2
  pairs_per_w = npair // NW
  nchp = pairs_per_w // CH
  bpw = nbatch // NW

  @functools.partial(
      pl.kernel,
      mesh=mesh,
      compiler_params=pltpu.CompilerParams(use_tc_tiling_on_sc=False),
      out_type=jax.ShapeDtypeStruct((npair, 128), jnp.float32),
      scratch_types=[
          pltpu.VMEM((bpw * SEQ,), jnp.int32),
          pltpu.VMEM((nchp, CH), jnp.int32),
          pltpu.VMEM((nchp, CH), jnp.int32),
          pltpu.VMEM((CH, 128), jnp.float32),
          pltpu.VMEM((CH, 128), jnp.float32),
          pltpu.VMEM((CH, 128), jnp.float32),
          pltpu.VMEM((CH, 128), jnp.float32),
          pltpu.SemaphoreType.DMA,
          pltpu.SemaphoreType.DMA,
      ],
  )
  def k(table_hbm, x_hbm, out_hbm, xv, idxl, idxr,
        bufe0, bufo0, bufe1, bufo1, sem0, sem1):
    wid = lax.axis_index("s") * 2 + lax.axis_index("c")
    base = wid * pairs_per_w

    pltpu.sync_copy(x_hbm.at[pl.ds(wid * bpw * SEQ, bpw * SEQ)], xv)

    @pl.loop(0, nchp)
    def _deint(j):
      for m in range(8):
        off = (j * 8 + m) * SEQ
        idxl[j, pl.ds(m * 16, 16)] = xv[pl.ds(off, SEQH)]
        idxr[j, pl.ds(m * 16, 16)] = xv[pl.ds(off + SEQH, SEQH)]

    bufs = ((bufe0, bufo0), (bufe1, bufo1))
    sems = (sem0, sem1)

    def start(cur, b):
      be, bo = bufs[b]
      pltpu.async_copy(table_hbm.at[idxl.at[cur]], be, sems[b])
      pltpu.async_copy(table_hbm.at[idxr.at[cur]], bo, sems[b])

    def finish(cur, b):
      be, bo = bufs[b]
      pltpu.make_async_copy(table_hbm.at[idxl.at[cur]], be, sems[b]).wait()
      pltpu.make_async_copy(table_hbm.at[idxr.at[cur]], bo, sems[b]).wait()
      rows = out_hbm.at[pl.ds(base + cur * CH, CH)]
      pltpu.sync_copy(be.at[:, pl.ds(0, EMBED)], rows.at[:, pl.ds(0, EMBED)])
      pltpu.sync_copy(bo.at[:, pl.ds(0, EMBED)],
                      rows.at[:, pl.ds(EMBED, EMBED)])

    start(0, 0)

    @pl.loop(0, nchp, step=2)
    def _body(j):
      for b in range(2):
        cur = j + b

        @pl.when(cur + 1 < nchp)
        def _():
          start(cur + 1, 1 - b)

        finish(cur, b)

  return k(table, x)


NP = SEQ * EMBED // 128


def _tc_mlp(emb3, w1r, b1, w2t, b2, w3t, b3):
  BB = 512
  nbatch = emb3.shape[0]
  OUTP = w3t.shape[1]

  def body(e_ref, w1_ref, b1_ref, w2_ref, b2_ref, w3_ref, b3_ref, o_ref):
    h = jnp.dot(
        e_ref[:, 0, :], w1_ref[0], preferred_element_type=jnp.float32)
    for p in range(1, NP):
      h += jnp.dot(
          e_ref[:, p, :], w1_ref[p], preferred_element_type=jnp.float32)
    h = jnp.maximum(h + b1_ref[...], 0.0)
    h = jnp.dot(h, w2_ref[...], preferred_element_type=jnp.float32)
    h = jnp.maximum(h + b2_ref[...], 0.0)
    o_ref[...] = (
        jnp.dot(h, w3_ref[...], preferred_element_type=jnp.float32)
        + b3_ref[...])

  full = lambda a: pl.BlockSpec(a.shape, lambda i: (0,) * a.ndim)
  return pl.pallas_call(
      body,
      grid=(nbatch // BB,),
      in_specs=[
          pl.BlockSpec((BB, NP, 128), lambda i: (i, 0, 0)),
          full(w1r), full(b1), full(w2t), full(b2), full(w3t), full(b3),
      ],
      out_specs=pl.BlockSpec((BB, OUTP), lambda i: (i, 0)),
      out_shape=jax.ShapeDtypeStruct((nbatch, OUTP), jnp.float32),
  )(emb3, w1r, b1, w2t, b2, w3t, b3)


def kernel(x, table, W1, b1, W2, b2, W3, b3):
  table_p = jnp.pad(table, ((0, (-VOCAB) % 8), (0, 128 - EMBED)))
  x2 = x.astype(jnp.int32).reshape(BATCH * SEQ)

  nout = W3.shape[0]
  w1s = W1.T.reshape(SEQ, EMBED, 128)
  w1r = jnp.concatenate([w1s[:SEQH], w1s[SEQH:]], axis=1)
  w3t = jnp.zeros((W3.shape[1], 32), jnp.float32).at[:, :nout].set(W3.T)
  b3p = jnp.zeros((1, 32), jnp.float32).at[:, :nout].set(b3[None, :])

  NS = 2
  nb = BATCH // NS
  outs = []
  for i in range(NS):
    emb2 = _sc_gather(table_p, lax.dynamic_slice(x2, (i * nb * SEQ,),
                                                 (nb * SEQ,)), nb)
    emb3 = emb2.reshape(nb, NP, 128)
    outs.append(
        _tc_mlp(emb3, w1r, b1[None, :], W2.T, b2[None, :], w3t, b3p))
  out = jnp.concatenate(outs, axis=0)
  return out[:, :nout]

# --- scband reference (transcript-rebuilt; emitter-appended) ---
"""Pipeline reference for scband-skew-23038204575892 (READ-ONLY COPY).

The authoritative reference and input builder live on the scoring server;
editing this copy changes nothing except your own understanding.
"""

import jax, jax.numpy as jnp
import numpy as np

VOCAB = 100277
EMBED = 64
SEQ = 32
BATCH = 4096

def setup_inputs(seed: int = 0) -> dict:
    key = jax.random.key(seed)
    k_idx, k_emb, k_w1, k_b1, k_w2, k_b2, k_w3, k_b3 = jax.random.split(key, 8)
    x = jax.random.randint(k_idx, (BATCH, SEQ), 0, VOCAB, dtype=jnp.int64 if jax.config.jax_enable_x64 else jnp.int32)
    table = jax.random.normal(k_emb, (VOCAB, EMBED), dtype=jnp.float32)
    W1 = jax.random.normal(k_w1, (128, SEQ * EMBED), dtype=jnp.float32) * 0.02
    b1 = jax.random.normal(k_b1, (128,), dtype=jnp.float32) * 0.02
    W2 = jax.random.normal(k_w2, (64, 128), dtype=jnp.float32) * 0.02
    b2 = jax.random.normal(k_b2, (64,), dtype=jnp.float32) * 0.02
    W3 = jax.random.normal(k_w3, (29, 64), dtype=jnp.float32) * 0.02
    b3 = jax.random.normal(k_b3, (29,), dtype=jnp.float32) * 0.02
    return {"x": x, "table": table, "W1": W1, "b1": b1, "W2": W2, "b2": b2, "W3": W3, "b3": b3}

def reference(x, table, W1, b1, W2, b2, W3, b3):
    emb = jnp.take(table, x, axis=0)              # [B, 32, 64] gather
    h = emb.reshape(emb.shape[0], -1)             # [B, 2048]
    h = h @ W1.T + b1
    h = jax.nn.relu(h)
    h = h @ W2.T + b2
    h = jax.nn.relu(h)
    out = h @ W3.T + b3                           # [B, 29]
    return out

if __name__ == "__main__":
    import jax
    _d = setup_inputs()
    print(jax.jit(kernel)(*tuple(_d.values())))

</pallas_src>

<mosaic_0001>
#map = affine_map<(d0, d1) -> (0, 0)>
#map1 = affine_map<(d0, d1) -> (0)>
module attributes {stable_mosaic.version = 14 : i64} {
  func.func @k(%arg0: i32, %arg1: i32, %arg2: memref<100280x128xf32, #tpu.memory_space<hbm>>, %arg3: memref<65536xi32, #tpu.memory_space<hbm>>, %arg4: memref<32768x128xf32, #tpu.memory_space<hbm>>, %arg5: memref<2048xi32, #tpu.memory_space<vmem>>, %arg6: memref<8x128xi32, #tpu.memory_space<vmem>>, %arg7: memref<8x128xi32, #tpu.memory_space<vmem>>, %arg8: memref<128x128xf32, #tpu.memory_space<vmem>>, %arg9: memref<128x128xf32, #tpu.memory_space<vmem>>, %arg10: memref<128x128xf32, #tpu.memory_space<vmem>>, %arg11: memref<128x128xf32, #tpu.memory_space<vmem>>, %arg12: memref<!tpu.dma_semaphore, #tpu.memory_space<semaphore_mem>>, %arg13: memref<!tpu.dma_semaphore, #tpu.memory_space<semaphore_mem>>) attributes {dimension_semantics = [#tpu.dimension_semantics<core_parallel>, #tpu.dimension_semantics<subcore_parallel>], iteration_bounds = array<i64: 2, 16>, scalar_prefetch = 0 : i64, scratch_operands = 9 : i64, tpu.core_type = #tpu.core_type<sc_vector_subcore>, window_params = [{transform_indices = #map}, {transform_indices = #map1}, {transform_indices = #map}]} {
    %mul3A = arith.constant 2 : i32
    %mul3A_0 = arith.muli %arg1, %mul3A : i32
    %add3A = arith.addi %mul3A_0, %arg0 : i32
    %mul3A_1 = arith.constant 1024 : i32
    %mul3A_2 = arith.muli %add3A, %mul3A_1 : i32
    %mul3A_3 = arith.constant 64 : i32
    %mul3A_4 = arith.muli %add3A, %mul3A_3 : i32
    %mul3A_5 = arith.constant 32 : i32
    %mul3A_6 = arith.muli %mul3A_4, %mul3A_5 : i32
    "tpu.region"() ({
      %run_scoped3A = tpu.sem_alloc : memref<!tpu.dma_semaphore, #tpu.memory_space<semaphore_mem>>
      %dma_start3A_29 = tpu.memref_slice %arg3[%mul3A_6] : memref<65536xi32, #tpu.memory_space<hbm>> -> memref<2048xi32, #tpu.memory_space<hbm>>
      %dma_start3A_30 = tpu.memref_slice %arg3[%mul3A_6] : memref<65536xi32, #tpu.memory_space<hbm>> -> memref<2048xi32, #tpu.memory_space<hbm>>
      tpu.enqueue_dma source(%dma_start3A_30 : memref<2048xi32, #tpu.memory_space<hbm>>) target(%arg5 : memref<2048xi32, #tpu.memory_space<vmem>>) target_semaphore(%run_scoped3A : memref<!tpu.dma_semaphore, #tpu.memory_space<semaphore_mem>>)
      %dma_wait3A = tpu.memref_slice %arg3[%mul3A_6] : memref<65536xi32, #tpu.memory_space<hbm>> -> memref<2048xi32, #tpu.memory_space<hbm>>
      %dma_wait3A_31 = tpu.memref_slice %arg3[%mul3A_6] : memref<65536xi32, #tpu.memory_space<hbm>> -> memref<2048xi32, #tpu.memory_space<hbm>>
      tpu.wait_dma2 semaphore(%run_scoped3A : memref<!tpu.dma_semaphore, #tpu.memory_space<semaphore_mem>>) src(%dma_wait3A_31 : memref<2048xi32, #tpu.memory_space<hbm>>) dst(%arg5 : memref<2048xi32, #tpu.memory_space<vmem>>)
      tpu.yield
    }) : () -> ()
    %scan3A = arith.constant 0 : i32
    %scan3A_7 = arith.constant 8 : i32
    %scan3A_8 = arith.addi %scan3A, %scan3A_7 : i32
    %scan3A_9 = arith.constant 1 : i32
    scf.for %scan3A_29 = %scan3A to %scan3A_8 step %scan3A_9  : i32 {
      %mul3A_30 = arith.constant 1 : i32
      %mul3A_31 = arith.muli %scan3A_29, %mul3A_30 : i32
      %add3A_32 = arith.constant 0 : i32
      %add3A_33 = arith.addi %add3A_32, %mul3A_31 : i32
      %mul3A_34 = arith.constant 8 : i32
      %mul3A_35 = arith.muli %add3A_33, %mul3A_34 : i32
      %add3A_36 = arith.constant 0 : i32
      %add3A_37 = arith.addi %mul3A_35, %add3A_36 : i32
      %mul3A_38 = arith.constant 32 : i32
      %mul3A_39 = arith.muli %add3A_37, %mul3A_38 : i32
      %get3A = arith.index_cast %mul3A_39 : i32 to index
      %get3A_40 = tpu.vector_load %arg5[%get3A] {strides = array<i32>} : memref<2048xi32, #tpu.memory_space<vmem>>, vector<16xi32>,
      %get3A_41 = vector.shape_cast %get3A_40 : vector<16xi32> to vector<16xi32>
      %swap3A = arith.index_cast %add3A_33 : i32 to index
      %swap3A_42 = arith.constant 0 : index
      %swap3A_43 = tpu.vector_load %arg6[%swap3A, %swap3A_42] {strides = array<i32>} : memref<8x128xi32, #tpu.memory_space<vmem>>, vector<1x16xi32>,
      %swap3A_44 = vector.shape_cast %swap3A_43 : vector<1x16xi32> to vector<16xi32>
      %swap3A_45 = vector.shape_cast %get3A_41 : vector<16xi32> to vector<1x16xi32>
      tpu.vector_store %arg6[%swap3A, %swap3A_42], %swap3A_45 {strides = array<i32>} : memref<8x128xi32, #tpu.memory_space<vmem>>, vector<1x16xi32>,
      %add3A_46 = arith.constant 16 : i32
      %add3A_47 = arith.addi %mul3A_39, %add3A_46 : i32
      %get3A_48 = arith.index_cast %add3A_47 : i32 to index
      %get3A_49 = tpu.vector_load %arg5[%get3A_48] {strides = array<i32>} : memref<2048xi32, #tpu.memory_space<vmem>>, vector<16xi32>,
      %get3A_50 = vector.shape_cast %get3A_49 : vector<16xi32> to vector<16xi32>
      %swap3A_51 = arith.index_cast %add3A_33 : i32 to index
      %swap3A_52 = arith.constant 0 : index
      %swap3A_53 = tpu.vector_load %arg7[%swap3A_51, %swap3A_52] {strides = array<i32>} : memref<8x128xi32, #tpu.memory_space<vmem>>, vector<1x16xi32>,
      %swap3A_54 = vector.shape_cast %swap3A_53 : vector<1x16xi32> to vector<16xi32>
      %swap3A_55 = vector.shape_cast %get3A_50 : vector<16xi32> to vector<1x16xi32>
      tpu.vector_store %arg7[%swap3A_51, %swap3A_52], %swap3A_55 {strides = array<i32>} : memref<8x128xi32, #tpu.memory_space<vmem>>, vector<1x16xi32>,
      %mul3A_56 = arith.constant 8 : i32
      %mul3A_57 = arith.muli %add3A_33, %mul3A_56 : i32
      %add3A_58 = arith.constant 1 : i32
      %add3A_59 = arith.addi %mul3A_57, %add3A_58 : i32
      %mul3A_60 = arith.constant 32 : i32
      %mul3A_61 = arith.muli %add3A_59, %mul3A_60 : i32
      %get3A_62 = arith.index_cast %mul3A_61 : i32 to index
      %get3A_63 = tpu.vector_load %arg5[%get3A_62] {strides = array<i32>} : memref<2048xi32, #tpu.memory_space<vmem>>, vector<16xi32>,
      %get3A_64 = vector.shape_cast %get3A_63 : vector<16xi32> to vector<16xi32>
      %swap3A_65 = arith.index_cast %add3A_33 : i32 to index
      %swap3A_66 = arith.constant 16 : index
      %swap3A_67 = tpu.vector_load %arg6[%swap3A_65, %swap3A_66] {strides = array<i32>} : memref<8x128xi32, #tpu.memory_space<vmem>>, vector<1x16xi32>,
      %swap3A_68 = vector.shape_cast %swap3A_67 : vector<1x16xi32> to vector<16xi32>
      %swap3A_69 = vector.shape_cast %get3A_64 : vector<16xi32> to vector<1x16xi32>
      tpu.vector_store %arg6[%swap3A_65, %swap3A_66], %swap3A_69 {strides = array<i32>} : memref<8x128xi32, #tpu.memory_space<vmem>>, vector<1x16xi32>,
      %add3A_70 = arith.constant 16 : i32
      %add3A_71 = arith.addi %mul3A_61, %add3A_70 : i32
      %get3A_72 = arith.index_cast %add3A_71 : i32 to index
      %get3A_73 = tpu.vector_load %arg5[%get3A_72] {strides = array<i32>} : memref<2048xi32, #tpu.memory_space<vmem>>, vector<16xi32>,
      %get3A_74 = vector.shape_cast %get3A_73 : vector<16xi32> to vector<16xi32>
      %swap3A_75 = arith.index_cast %add3A_33 : i32 to index
      %swap3A_76 = arith.constant 16 : index
      %swap3A_77 = tpu.vector_load %arg7[%swap3A_75, %swap3A_76] {strides = array<i32>} : memref<8x128xi32, #tpu.memory_space<vmem>>, vector<1x16xi32>,
      %swap3A_78 = vector.shape_cast %swap3A_77 : vector<1x16xi32> to vector<16xi32>
      %swap3A_79 = vector.shape_cast %get3A_74 : vector<16xi32> to vector<1x16xi32>
      tpu.vector_store %arg7[%swap3A_75, %swap3A_76], %swap3A_79 {strides = array<i32>} : memref<8x128xi32, #tpu.memory_space<vmem>>, vector<1x16xi32>,
      %mul3A_80 = arith.constant 8 : i32
      %mul3A_81 = arith.muli %add3A_33, %mul3A_80 : i32
      %add3A_82 = arith.constant 2 : i32
      %add3A_83 = arith.addi %mul3A_81, %add3A_82 : i32
      %mul3A_84 = arith.constant 32 : i32
      %mul3A_85 = arith.muli %add3A_83, %mul3A_84 : i32
      %get3A_86 = arith.index_cast %mul3A_85 : i32 to index
      %get3A_87 = tpu.vector_load %arg5[%get3A_86] {strides = array<i32>} : memref<2048xi32, #tpu.memory_space<vmem>>, vector<16xi32>,
      %get3A_88 = vector.shape_cast %get3A_87 : vector<16xi32> to vector<16xi32>
      %swap3A_89 = arith.index_cast %add3A_33 : i32 to index
      %swap3A_90 = arith.constant 32 : index
      %swap3A_91 = tpu.vector_load %arg6[%swap3A_89, %swap3A_90] {strides = array<i32>} : memref<8x128xi32, #tpu.memory_space<vmem>>, vector<1x16xi32>,
      %swap3A_92 = vector.shape_cast %swap3A_91 : vector<1x16xi32> to vector<16xi32>
      %swap3A_93 = vector.shape_cast %get3A_88 : vector<16xi32> to vector<1x16xi32>
      tpu.vector_store %arg6[%swap3A_89, %swap3A_90], %swap3A_93 {strides = array<i32>} : memref<8x128xi32, #tpu.memory_space<vmem>>, vector<1x16xi32>,
      %add3A_94 = arith.constant 16 : i32
      %add3A_95 = arith.addi %mul3A_85, %add3A_94 : i32
      %get3A_96 = arith.index_cast %add3A_95 : i32 to index
      %get3A_97 = tpu.vector_load %arg5[%get3A_96] {strides = array<i32>} : memref<2048xi32, #tpu.memory_space<vmem>>, vector<16xi32>,
      %get3A_98 = vector.shape_cast %get3A_97 : vector<16xi32> to vector<16xi32>
      %swap3A_99 = arith.index_cast %add3A_33 : i32 to index
      %swap3A_100 = arith.constant 32 : index
      %swap3A_101 = tpu.vector_load %arg7[%swap3A_99, %swap3A_100] {strides = array<i32>} : memref<8x128xi32, #tpu.memory_space<vmem>>, vector<1x16xi32>,
      %swap3A_102 = vector.shape_cast %swap3A_101 : vector<1x16xi32> to vector<16xi32>
      %swap3A_103 = vector.shape_cast %get3A_98 : vector<16xi32> to vector<1x16xi32>
      tpu.vector_store %arg7[%swap3A_99, %swap3A_100], %swap3A_103 {strides = array<i32>} : memref<8x128xi32, #tpu.memory_space<vmem>>, vector<1x16xi32>,
      %mul3A_104 = arith.constant 8 : i32
      %mul3A_105 = arith.muli %add3A_33, %mul3A_104 : i32
      %add3A_106 = arith.constant 3 : i32
      %add3A_107 = arith.addi %mul3A_105, %add3A_106 : i32
      %mul3A_108 = arith.constant 32 : i32
      %mul3A_109 = arith.muli %add3A_107, %mul3A_108 : i32
      %get3A_110 = arith.index_cast %mul3A_109 : i32 to index
      %get3A_111 = tpu.vector_load %arg5[%get3A_110] {strides = array<i32>} : memref<2048xi32, #tpu.memory_space<vmem>>, vector<16xi32>,
      %get3A_112 = vector.shape_cast %get3A_111 : vector<16xi32> to vector<16xi32>
      %swap3A_113 = arith.index_cast %add3A_33 : i32 to index
      %swap3A_114 = arith.constant 48 : index
      %swap3A_115 = tpu.vector_load %arg6[%swap3A_113, %swap3A_114] {strides = array<i32>} : memref<8x128xi32, #tpu.memory_space<vmem>>, vector<1x16xi32>,
      %swap3A_116 = vector.shape_cast %swap3A_115 : vector<1x16xi32> to vector<16xi32>
      %swap3A_117 = vector.shape_cast %get3A_112 : vector<16xi32> to vector<1x16xi32>
      tpu.vector_store %arg6[%swap3A_113, %swap3A_114], %swap3A_117 {strides = array<i32>} : memref<8x128xi32, #tpu.memory_space<vmem>>, vector<1x16xi32>,
      %add3A_118 = arith.constant 16 : i32
      %add3A_119 = arith.addi %mul3A_109, %add3A_118 : i32
      %get3A_120 = arith.index_cast %add3A_119 : i32 to index
      %get3A_121 = tpu.vector_load %arg5[%get3A_120] {strides = array<i32>} : memref<2048xi32, #tpu.memory_space<vmem>>, vector<16xi32>,
      %get3A_122 = vector.shape_cast %get3A_121 : vector<16xi32> to vector<16xi32>
      %swap3A_123 = arith.index_cast %add3A_33 : i32 to index
      %swap3A_124 = arith.constant 48 : index
      %swap3A_125 = tpu.vector_load %arg7[%swap3A_123, %swap3A_124] {strides = array<i32>} : memref<8x128xi32, #tpu.memory_space<vmem>>, vector<1x16xi32>,
      %swap3A_126 = vector.shape_cast %swap3A_125 : vector<1x16xi32> to vector<16xi32>
      %swap3A_127 = vector.shape_cast %get3A_122 : vector<16xi32> to vector<1x16xi32>
      tpu.vector_store %arg7[%swap3A_123, %swap3A_124], %swap3A_127 {strides = array<i32>} : memref<8x128xi32, #tpu.memory_space<vmem>>, vector<1x16xi32>,
      %mul3A_128 = arith.constant 8 : i32
      %mul3A_129 = arith.muli %add3A_33, %mul3A_128 : i32
      %add3A_130 = arith.constant 4 : i32
      %add3A_131 = arith.addi %mul3A_129, %add3A_130 : i32
      %mul3A_132 = arith.constant 32 : i32
      %mul3A_133 = arith.muli %add3A_131, %mul3A_132 : i32
      %get3A_134 = arith.index_cast %mul3A_133 : i32 to index
      %get3A_135 = tpu.vector_load %arg5[%get3A_134] {strides = array<i32>} : memref<2048xi32, #tpu.memory_space<vmem>>, vector<16xi32>,
      %get3A_136 = vector.shape_cast %get3A_135 : vector<16xi32> to vector<16xi32>
      %swap3A_137 = arith.index_cast %add3A_33 : i32 to index
      %swap3A_138 = arith.constant 64 : index
      %swap3A_139 = tpu.vector_load %arg6[%swap3A_137, %swap3A_138] {strides = array<i32>} : memref<8x128xi32, #tpu.memory_space<vmem>>, vector<1x16xi32>,
      %swap3A_140 = vector.shape_cast %swap3A_139 : vector<1x16xi32> to vector<16xi32>
      %swap3A_141 = vector.shape_cast %get3A_136 : vector<16xi32> to vector<1x16xi32>
      tpu.vector_store %arg6[%swap3A_137, %swap3A_138], %swap3A_141 {strides = array<i32>} : memref<8x128xi32, #tpu.memory_space<vmem>>, vector<1x16xi32>,
      %add3A_142 = arith.constant 16 : i32
      %add3A_143 = arith.addi %mul3A_133, %add3A_142 : i32
      %get3A_144 = arith.index_cast %add3A_143 : i32 to index
      %get3A_145 = tpu.vector_load %arg5[%get3A_144] {strides = array<i32>} : memref<2048xi32, #tpu.memory_space<vmem>>, vector<16xi32>,
      %get3A_146 = vector.shape_cast %get3A_145 : vector<16xi32> to vector<16xi32>
      %swap3A_147 = arith.index_cast %add3A_33 : i32 to index
      %swap3A_148 = arith.constant 64 : index
      %swap3A_149 = tpu.vector_load %arg7[%swap3A_147, %swap3A_148] {strides = array<i32>} : memref<8x128xi32, #tpu.memory_space<vmem>>, vector<1x16xi32>,
      %swap3A_150 = vector.shape_cast %swap3A_149 : vector<1x16xi32> to vector<16xi32>
      %swap3A_151 = vector.shape_cast %get3A_146 : vector<16xi32> to vector<1x16xi32>
      tpu.vector_store %arg7[%swap3A_147, %swap3A_148], %swap3A_151 {strides = array<i32>} : memref<8x128xi32, #tpu.memory_space<vmem>>, vector<1x16xi32>,
      %mul3A_152 = arith.constant 8 : i32
      %mul3A_153 = arith.muli %add3A_33, %mul3A_152 : i32
      %add3A_154 = arith.constant 5 : i32
      %add3A_155 = arith.addi %mul3A_153, %add3A_154 : i32
      %mul3A_156 = arith.constant 32 : i32
      %mul3A_157 = arith.muli %add3A_155, %mul3A_156 : i32
      %get3A_158 = arith.index_cast %mul3A_157 : i32 to index
      %get3A_159 = tpu.vector_load %arg5[%get3A_158] {strides = array<i32>} : memref<2048xi32, #tpu.memory_space<vmem>>, vector<16xi32>,
      %get3A_160 = vector.shape_cast %get3A_159 : vector<16xi32> to vector<16xi32>
      %swap3A_161 = arith.index_cast %add3A_33 : i32 to index
      %swap3A_162 = arith.constant 80 : index
      %swap3A_163 = tpu.vector_load %arg6[%swap3A_161, %swap3A_162] {strides = array<i32>} : memref<8x128xi32, #tpu.memory_space<vmem>>, vector<1x16xi32>,
      %swap3A_164 = vector.shape_cast %swap3A_163 : vector<1x16xi32> to vector<16xi32>
      %swap3A_165 = vector.shape_cast %get3A_160 : vector<16xi32> to vector<1x16xi32>
      tpu.vector_store %arg6[%swap3A_161, %swap3A_162], %swap3A_165 {strides = array<i32>} : memref<8x128xi32, #tpu.memory_space<vmem>>, vector<1x16xi32>,
      %add3A_166 = arith.constant 16 : i32
      %add3A_167 = arith.addi %mul3A_157, %add3A_166 : i32
      %get3A_168 = arith.index_cast %add3A_167 : i32 to index
      %get3A_169 = tpu.vector_load %arg5[%get3A_168] {strides = array<i32>} : memref<2048xi32, #tpu.memory_space<vmem>>, vector<16xi32>,
      %get3A_170 = vector.shape_cast %get3A_169 : vector<16xi32> to vector<16xi32>
      %swap3A_171 = arith.index_cast %add3A_33 : i32 to index
      %swap3A_172 = arith.constant 80 : index
      %swap3A_173 = tpu.vector_load %arg7[%swap3A_171, %swap3A_172] {strides = array<i32>} : memref<8x128xi32, #tpu.memory_space<vmem>>, vector<1x16xi32>,
      %swap3A_174 = vector.shape_cast %swap3A_173 : vector<1x16xi32> to vector<16xi32>
      %swap3A_175 = vector.shape_cast %get3A_170 : vector<16xi32> to vector<1x16xi32>
      tpu.vector_store %arg7[%swap3A_171, %swap3A_172], %swap3A_175 {strides = array<i32>} : memref<8x128xi32, #tpu.memory_space<vmem>>, vector<1x16xi32>,
      %mul3A_176 = arith.constant 8 : i32
      %mul3A_177 = arith.muli %add3A_33, %mul3A_176 : i32
      %add3A_178 = arith.constant 6 : i32
      %add3A_179 = arith.addi %mul3A_177, %add3A_178 : i32
      %mul3A_180 = arith.constant 32 : i32
      %mul3A_181 = arith.muli %add3A_179, %mul3A_180 : i32
      %get3A_182 = arith.index_cast %mul3A_181 : i32 to index
      %get3A_183 = tpu.vector_load %arg5[%get3A_182] {strides = array<i32>} : memref<2048xi32, #tpu.memory_space<vmem>>, vector<16xi32>,
      %get3A_184 = vector.shape_cast %get3A_183 : vector<16xi32> to vector<16xi32>
      %swap3A_185 = arith.index_cast %add3A_33 : i32 to index
      %swap3A_186 = arith.constant 96 : index
      %swap3A_187 = tpu.vector_load %arg6[%swap3A_185, %swap3A_186] {strides = array<i32>} : memref<8x128xi32, #tpu.memory_space<vmem>>, vector<1x16xi32>,
      %swap3A_188 = vector.shape_cast %swap3A_187 : vector<1x16xi32> to vector<16xi32>
      %swap3A_189 = vector.shape_cast %get3A_184 : vector<16xi32> to vector<1x16xi32>
      tpu.vector_store %arg6[%swap3A_185, %swap3A_186], %swap3A_189 {strides = array<i32>} : memref<8x128xi32, #tpu.memory_space<vmem>>, vector<1x16xi32>,
      %add3A_190 = arith.constant 16 : i32
      %add3A_191 = arith.addi %mul3A_181, %add3A_190 : i32
      %get3A_192 = arith.index_cast %add3A_191 : i32 to index
      %get3A_193 = tpu.vector_load %arg5[%get3A_192] {strides = array<i32>} : memref<2048xi32, #tpu.memory_space<vmem>>, vector<16xi32>,
      %get3A_194 = vector.shape_cast %get3A_193 : vector<16xi32> to vector<16xi32>
      %swap3A_195 = arith.index_cast %add3A_33 : i32 to index
      %swap3A_196 = arith.constant 96 : index
      %swap3A_197 = tpu.vector_load %arg7[%swap3A_195, %swap3A_196] {strides = array<i32>} : memref<8x128xi32, #tpu.memory_space<vmem>>, vector<1x16xi32>,
      %swap3A_198 = vector.shape_cast %swap3A_197 : vector<1x16xi32> to vector<16xi32>
      %swap3A_199 = vector.shape_cast %get3A_194 : vector<16xi32> to vector<1x16xi32>
      tpu.vector_store %arg7[%swap3A_195, %swap3A_196], %swap3A_199 {strides = array<i32>} : memref<8x128xi32, #tpu.memory_space<vmem>>, vector<1x16xi32>,
      %mul3A_200 = arith.constant 8 : i32
      %mul3A_201 = arith.muli %add3A_33, %mul3A_200 : i32
      %add3A_202 = arith.constant 7 : i32
      %add3A_203 = arith.addi %mul3A_201, %add3A_202 : i32
      %mul3A_204 = arith.constant 32 : i32
      %mul3A_205 = arith.muli %add3A_203, %mul3A_204 : i32
      %get3A_206 = arith.index_cast %mul3A_205 : i32 to index
      %get3A_207 = tpu.vector_load %arg5[%get3A_206] {strides = array<i32>} : memref<2048xi32, #tpu.memory_space<vmem>>, vector<16xi32>,
      %get3A_208 = vector.shape_cast %get3A_207 : vector<16xi32> to vector<16xi32>
      %swap3A_209 = arith.index_cast %add3A_33 : i32 to index
      %swap3A_210 = arith.constant 112 : index
      %swap3A_211 = tpu.vector_load %arg6[%swap3A_209, %swap3A_210] {strides = array<i32>} : memref<8x128xi32, #tpu.memory_space<vmem>>, vector<1x16xi32>,
      %swap3A_212 = vector.shape_cast %swap3A_211 : vector<1x16xi32> to vector<16xi32>
      %swap3A_213 = vector.shape_cast %get3A_208 : vector<16xi32> to vector<1x16xi32>
      tpu.vector_store %arg6[%swap3A_209, %swap3A_210], %swap3A_213 {strides = array<i32>} : memref<8x128xi32, #tpu.memory_space<vmem>>, vector<1x16xi32>,
      %add3A_214 = arith.constant 16 : i32
      %add3A_215 = arith.addi %mul3A_205, %add3A_214 : i32
      %get3A_216 = arith.index_cast %add3A_215 : i32 to index
      %get3A_217 = tpu.vector_load %arg5[%get3A_216] {strides = array<i32>} : memref<2048xi32, #tpu.memory_space<vmem>>, vector<16xi32>,
      %get3A_218 = vector.shape_cast %get3A_217 : vector<16xi32> to vector<16xi32>
      %swap3A_219 = arith.index_cast %add3A_33 : i32 to index
      %swap3A_220 = arith.constant 112 : index
      %swap3A_221 = tpu.vector_load %arg7[%swap3A_219, %swap3A_220] {strides = array<i32>} : memref<8x128xi32, #tpu.memory_space<vmem>>, vector<1x16xi32>,
      %swap3A_222 = vector.shape_cast %swap3A_221 : vector<1x16xi32> to vector<16xi32>
      %swap3A_223 = vector.shape_cast %get3A_218 : vector<16xi32> to vector<1x16xi32>
      tpu.vector_store %arg7[%swap3A_219, %swap3A_220], %swap3A_223 {strides = array<i32>} : memref<8x128xi32, #tpu.memory_space<vmem>>, vector<1x16xi32>,
    }
    %scan3A_10 = arith.constant 8 : i32
    %dma_start3A = arith.constant 0 : i32
    %dma_start3A_11 = arith.constant 0 : i32
    %dma_start3A_12 = tpu.memref_slice %arg6[%dma_start3A, %dma_start3A_11] : memref<8x128xi32, #tpu.memory_space<vmem>> -> memref<1x128xi32, #tpu.memory_space<vmem>>
    %dma_start3A_13 = tpu.memref_squeeze %dma_start3A_12 : memref<1x128xi32, #tpu.memory_space<vmem>> -> memref<128xi32, #tpu.memory_space<vmem>>
    %dma_start3A_14 = arith.constant 0 : i32
    %dma_start3A_15 = arith.constant 0 : i32
    %dma_start3A_16 = tpu.memref_slice %arg2[%dma_start3A_14, %dma_start3A_15] : memref<100280x128xf32, #tpu.memory_space<hbm>> -> memref<100280x128xf32, #tpu.memory_space<hbm>>
    tpu.enqueue_indirect_dma source(%dma_start3A_16 : memref<100280x128xf32, #tpu.memory_space<hbm>>) target(%arg8 : memref<128x128xf32, #tpu.memory_space<vmem>>) offsets(%dma_start3A_13 : memref<128xi32, #tpu.memory_space<vmem>>) semaphore(%arg12 : memref<!tpu.dma_semaphore, #tpu.memory_space<semaphore_mem>>)
    %dma_start3A_17 = arith.constant 0 : i32
    %dma_start3A_18 = arith.constant 0 : i32
    %dma_start3A_19 = tpu.memref_slice %arg7[%dma_start3A_17, %dma_start3A_18] : memref<8x128xi32, #tpu.memory_space<vmem>> -> memref<1x128xi32, #tpu.memory_space<vmem>>
    %dma_start3A_20 = tpu.memref_squeeze %dma_start3A_19 : memref<1x128xi32, #tpu.memory_space<vmem>> -> memref<128xi32, #tpu.memory_space<vmem>>
    %dma_start3A_21 = arith.constant 0 : i32
    %dma_start3A_22 = arith.constant 0 : i32
    %dma_start3A_23 = tpu.memref_slice %arg2[%dma_start3A_21, %dma_start3A_22] : memref<100280x128xf32, #tpu.memory_space<hbm>> -> memref<100280x128xf32, #tpu.memory_space<hbm>>
    tpu.enqueue_indirect_dma source(%dma_start3A_23 : memref<100280x128xf32, #tpu.memory_space<hbm>>) target(%arg9 : memref<128x128xf32, #tpu.memory_space<vmem>>) offsets(%dma_start3A_20 : memref<128xi32, #tpu.memory_space<vmem>>) semaphore(%arg12 : memref<!tpu.dma_semaphore, #tpu.memory_space<semaphore_mem>>)
    %scan3A_24 = arith.constant 0 : i32
    %scan3A_25 = arith.constant 4 : i32
    %scan3A_26 = arith.addi %scan3A_24, %scan3A_25 : i32
    %scan3A_27 = arith.constant 1 : i32
    scf.for %scan3A_29 = %scan3A_24 to %scan3A_26 step %scan3A_27  : i32 {
      %mul3A_30 = arith.constant 2 : i32
      %mul3A_31 = arith.muli %scan3A_29, %mul3A_30 : i32
      %add3A_32 = arith.constant 0 : i32
      %add3A_33 = arith.addi %add3A_32, %mul3A_31 : i32
      %add3A_34 = arith.constant 0 : i32
      %add3A_35 = arith.addi %add3A_33, %add3A_34 : i32
      %add3A_36 = arith.constant 1 : i32
      %add3A_37 = arith.addi %add3A_35, %add3A_36 : i32
      %lt3A = arith.constant 8 : i32
      %lt3A_38 = arith.cmpi slt, %add3A_37, %lt3A : i32
      %convert_element_type3A = arith.extui %lt3A_38 : i1 to i32
      %cond3A = arith.constant 0 : i32
      %cond3A_39 = arith.cmpi ne, %convert_element_type3A, %cond3A : i32
      scf.if %cond3A_39 {
        %add3A_78 = arith.constant 1 : i32
        %add3A_79 = arith.addi %add3A_35, %add3A_78 : i32
        %dma_start3A_80 = arith.constant 0 : i32
        %dma_start3A_81 = tpu.memref_slice %arg6[%add3A_79, %dma_start3A_80] : memref<8x128xi32, #tpu.memory_space<vmem>> -> memref<1x128xi32, #tpu.memory_space<vmem>>
        %dma_start3A_82 = tpu.memref_squeeze %dma_start3A_81 : memref<1x128xi32, #tpu.memory_space<vmem>> -> memref<128xi32, #tpu.memory_space<vmem>>
        %dma_start3A_83 = arith.constant 0 : i32
        %dma_start3A_84 = arith.constant 0 : i32
        %dma_start3A_85 = tpu.memref_slice %arg2[%dma_start3A_83, %dma_start3A_84] : memref<100280x128xf32, #tpu.memory_space<hbm>> -> memref<100280x128xf32, #tpu.memory_space<hbm>>
        tpu.enqueue_indirect_dma source(%dma_start3A_85 : memref<100280x128xf32, #tpu.memory_space<hbm>>) target(%arg10 : memref<128x128xf32, #tpu.memory_space<vmem>>) offsets(%dma_start3A_82 : memref<128xi32, #tpu.memory_space<vmem>>) semaphore(%arg13 : memref<!tpu.dma_semaphore, #tpu.memory_space<semaphore_mem>>)
        %dma_start3A_86 = arith.constant 0 : i32
        %dma_start3A_87 = tpu.memref_slice %arg7[%add3A_79, %dma_start3A_86] : memref<8x128xi32, #tpu.memory_space<vmem>> -> memref<1x128xi32, #tpu.memory_space<vmem>>
        %dma_start3A_88 = tpu.memref_squeeze %dma_start3A_87 : memref<1x128xi32, #tpu.memory_space<vmem>> -> memref<128xi32, #tpu.memory_space<vmem>>
        %dma_start3A_89 = arith.constant 0 : i32
        %dma_start3A_90 = arith.constant 0 : i32
        %dma_start3A_91 = tpu.memref_slice %arg2[%dma_start3A_89, %dma_start3A_90] : memref<100280x128xf32, #tpu.memory_space<hbm>> -> memref<100280x128xf32, #tpu.memory_space<hbm>>
        tpu.enqueue_indirect_dma source(%dma_start3A_91 : memref<100280x128xf32, #tpu.memory_space<hbm>>) target(%arg11 : memref<128x128xf32, #tpu.memory_space<vmem>>) offsets(%dma_start3A_88 : memref<128xi32, #tpu.memory_space<vmem>>) semaphore(%arg13 : memref<!tpu.dma_semaphore, #tpu.memory_space<semaphore_mem>>)
      } else {
      }
      %dma_wait3A = arith.constant 0 : i32
      %dma_wait3A_40 = tpu.memref_slice %arg6[%add3A_35, %dma_wait3A] : memref<8x128xi32, #tpu.memory_space<vmem>> -> memref<1x128xi32, #tpu.memory_space<vmem>>
      %dma_wait3A_41 = tpu.memref_squeeze %dma_wait3A_40 : memref<1x128xi32, #tpu.memory_space<vmem>> -> memref<128xi32, #tpu.memory_space<vmem>>
      %dma_wait3A_42 = arith.constant 0 : i32
      %dma_wait3A_43 = arith.constant 0 : i32
      %dma_wait3A_44 = tpu.memref_slice %arg2[%dma_wait3A_42, %dma_wait3A_43] : memref<100280x128xf32, #tpu.memory_space<hbm>> -> memref<100280x128xf32, #tpu.memory_space<hbm>>
      tpu.wait_indirect_dma semaphore(%arg12 : memref<!tpu.dma_semaphore, #tpu.memory_space<semaphore_mem>>) src(%dma_wait3A_44 : memref<100280x128xf32, #tpu.memory_space<hbm>>) dst(%arg8 : memref<128x128xf32, #tpu.memory_space<vmem>>)
      %dma_wait3A_45 = arith.constant 0 : i32
      %dma_wait3A_46 = tpu.memref_slice %arg7[%add3A_35, %dma_wait3A_45] : memref<8x128xi32, #tpu.memory_space<vmem>> -> memref<1x128xi32, #tpu.memory_space<vmem>>
      %dma_wait3A_47 = tpu.memref_squeeze %dma_wait3A_46 : memref<1x128xi32, #tpu.memory_space<vmem>> -> memref<128xi32, #tpu.memory_space<vmem>>
      %dma_wait3A_48 = arith.constant 0 : i32
      %dma_wait3A_49 = arith.constant 0 : i32
      %dma_wait3A_50 = tpu.memref_slice %arg2[%dma_wait3A_48, %dma_wait3A_49] : memref<100280x128xf32, #tpu.memory_space<hbm>> -> memref<100280x128xf32, #tpu.memory_space<hbm>>
      tpu.wait_indirect_dma semaphore(%arg12 : memref<!tpu.dma_semaphore, #tpu.memory_space<semaphore_mem>>) src(%dma_wait3A_50 : memref<100280x128xf32, #tpu.memory_space<hbm>>) dst(%arg9 : memref<128x128xf32, #tpu.memory_space<vmem>>)
      %mul3A_51 = arith.constant 128 : i32
      %mul3A_52 = arith.muli %add3A_35, %mul3A_51 : i32
      %add3A_53 = arith.addi %mul3A_2, %mul3A_52 : i32
      "tpu.region"() ({
        %run_scoped3A = tpu.sem_alloc : memref<!tpu.dma_semaphore, #tpu.memory_space<semaphore_mem>>
        %dma_start3A_78 = arith.constant 0 : i32
        %dma_start3A_79 = arith.constant 0 : i32
        %dma_start3A_80 = tpu.memref_slice %arg8[%dma_start3A_78, %dma_start3A_79] : memref<128x128xf32, #tpu.memory_space<vmem>> -> memref<128x64xf32, #tpu.memory_space<vmem>>
        %dma_start3A_81 = arith.constant 0 : i32
        %dma_start3A_82 = tpu.memref_slice %arg4[%add3A_53, %dma_start3A_81] : memref<32768x128xf32, #tpu.memory_space<hbm>> -> memref<128x128xf32, #tpu.memory_space<hbm>>
        %dma_start3A_83 = arith.constant 0 : i32
        %dma_start3A_84 = arith.constant 0 : i32
        %dma_start3A_85 = tpu.memref_slice %dma_start3A_82[%dma_start3A_83, %dma_start3A_84] : memref<128x128xf32, #tpu.memory_space<hbm>> -> memref<128x64xf32, #tpu.memory_space<hbm>>
        %dma_start3A_86 = arith.constant 0 : i32
        %dma_start3A_87 = tpu.memref_slice %arg4[%add3A_53, %dma_start3A_86] : memref<32768x128xf32, #tpu.memory_space<hbm>> -> memref<128x128xf32, #tpu.memory_space<hbm>>
        %dma_start3A_88 = arith.constant 0 : i32
        %dma_start3A_89 = arith.constant 0 : i32
        %dma_start3A_90 = tpu.memref_slice %dma_start3A_87[%dma_start3A_88, %dma_start3A_89] : memref<128x128xf32, #tpu.memory_space<hbm>> -> memref<128x64xf32, #tpu.memory_space<hbm>>
        %dma_start3A_91 = arith.constant 0 : i32
        %dma_start3A_92 = arith.constant 0 : i32
        %dma_start3A_93 = tpu.memref_slice %arg8[%dma_start3A_91, %dma_start3A_92] : memref<128x128xf32, #tpu.memory_space<vmem>> -> memref<128x64xf32, #tpu.memory_space<vmem>>
        tpu.enqueue_dma source(%dma_start3A_93 : memref<128x64xf32, #tpu.memory_space<vmem>>) target(%dma_start3A_90 : memref<128x64xf32, #tpu.memory_space<hbm>>) target_semaphore(%run_scoped3A : memref<!tpu.dma_semaphore, #tpu.memory_space<semaphore_mem>>)
        %dma_wait3A_94 = arith.constant 0 : i32
        %dma_wait3A_95 = arith.constant 0 : i32
        %dma_wait3A_96 = tpu.memref_slice %arg8[%dma_wait3A_94, %dma_wait3A_95] : memref<128x128xf32, #tpu.memory_space<vmem>> -> memref<128x64xf32, #tpu.memory_space<vmem>>
        %dma_wait3A_97 = arith.constant 0 : i32
        %dma_wait3A_98 = tpu.memref_slice %arg4[%add3A_53, %dma_wait3A_97] : memref<32768x128xf32, #tpu.memory_space<hbm>> -> memref<128x128xf32, #tpu.memory_space<hbm>>
        %dma_wait3A_99 = arith.constant 0 : i32
        %dma_wait3A_100 = arith.constant 0 : i32
        %dma_wait3A_101 = tpu.memref_slice %dma_wait3A_98[%dma_wait3A_99, %dma_wait3A_100] : memref<128x128xf32, #tpu.memory_space<hbm>> -> memref<128x64xf32, #tpu.memory_space<hbm>>
        %dma_wait3A_102 = arith.constant 0 : i32
        %dma_wait3A_103 = tpu.memref_slice %arg4[%add3A_53, %dma_wait3A_102] : memref<32768x128xf32, #tpu.memory_space<hbm>> -> memref<128x128xf32, #tpu.memory_space<hbm>>
        %dma_wait3A_104 = arith.constant 0 : i32
        %dma_wait3A_105 = arith.constant 0 : i32
        %dma_wait3A_106 = tpu.memref_slice %dma_wait3A_103[%dma_wait3A_104, %dma_wait3A_105] : memref<128x128xf32, #tpu.memory_space<hbm>> -> memref<128x64xf32, #tpu.memory_space<hbm>>
        %dma_wait3A_107 = arith.constant 0 : i32
        %dma_wait3A_108 = arith.constant 0 : i32
        %dma_wait3A_109 = tpu.memref_slice %arg8[%dma_wait3A_107, %dma_wait3A_108] : memref<128x128xf32, #tpu.memory_space<vmem>> -> memref<128x64xf32, #tpu.memory_space<vmem>>
        tpu.wait_dma2 semaphore(%run_scoped3A : memref<!tpu.dma_semaphore, #tpu.memory_space<semaphore_mem>>) src(%dma_wait3A_109 : memref<128x64xf32, #tpu.memory_space<vmem>>) dst(%dma_wait3A_106 : memref<128x64xf32, #tpu.memory_space<hbm>>)
        tpu.yield
      }) : () -> ()
      "tpu.region"() ({
        %run_scoped3A = tpu.sem_alloc : memref<!tpu.dma_semaphore, #tpu.memory_space<semaphore_mem>>
        %dma_start3A_78 = arith.constant 0 : i32
        %dma_start3A_79 = arith.constant 0 : i32
        %dma_start3A_80 = tpu.memref_slice %arg9[%dma_start3A_78, %dma_start3A_79] : memref<128x128xf32, #tpu.memory_space<vmem>> -> memref<128x64xf32, #tpu.memory_space<vmem>>
        %dma_start3A_81 = arith.constant 0 : i32
        %dma_start3A_82 = tpu.memref_slice %arg4[%add3A_53, %dma_start3A_81] : memref<32768x128xf32, #tpu.memory_space<hbm>> -> memref<128x128xf32, #tpu.memory_space<hbm>>
        %dma_start3A_83 = arith.constant 0 : i32
        %dma_start3A_84 = arith.constant 64 : i32
        %dma_start3A_85 = tpu.memref_slice %dma_start3A_82[%dma_start3A_83, %dma_start3A_84] : memref<128x128xf32, #tpu.memory_space<hbm>> -> memref<128x64xf32, #tpu.memory_space<hbm>>
        %dma_start3A_86 = arith.constant 0 : i32
        %dma_start3A_87 = tpu.memref_slice %arg4[%add3A_53, %dma_start3A_86] : memref<32768x128xf32, #tpu.memory_space<hbm>> -> memref<128x128xf32, #tpu.memory_space<hbm>>
        %dma_start3A_88 = arith.constant 0 : i32
        %dma_start3A_89 = arith.constant 64 : i32
        %dma_start3A_90 = tpu.memref_slice %dma_start3A_87[%dma_start3A_88, %dma_start3A_89] : memref<128x128xf32, #tpu.memory_space<hbm>> -> memref<128x64xf32, #tpu.memory_space<hbm>>
        %dma_start3A_91 = arith.constant 0 : i32
        %dma_start3A_92 = arith.constant 0 : i32
        %dma_start3A_93 = tpu.memref_slice %arg9[%dma_start3A_91, %dma_start3A_92] : memref<128x128xf32, #tpu.memory_space<vmem>> -> memref<128x64xf32, #tpu.memory_space<vmem>>
        tpu.enqueue_dma source(%dma_start3A_93 : memref<128x64xf32, #tpu.memory_space<vmem>>) target(%dma_start3A_90 : memref<128x64xf32, #tpu.memory_space<hbm>>) target_semaphore(%run_scoped3A : memref<!tpu.dma_semaphore, #tpu.memory_space<semaphore_mem>>)
        %dma_wait3A_94 = arith.constant 0 : i32
        %dma_wait3A_95 = arith.constant 0 : i32
        %dma_wait3A_96 = tpu.memref_slice %arg9[%dma_wait3A_94, %dma_wait3A_95] : memref<128x128xf32, #tpu.memory_space<vmem>> -> memref<128x64xf32, #tpu.memory_space<vmem>>
        %dma_wait3A_97 = arith.constant 0 : i32
        %dma_wait3A_98 = tpu.memref_slice %arg4[%add3A_53, %dma_wait3A_97] : memref<32768x128xf32, #tpu.memory_space<hbm>> -> memref<128x128xf32, #tpu.memory_space<hbm>>
        %dma_wait3A_99 = arith.constant 0 : i32
        %dma_wait3A_100 = arith.constant 64 : i32
        %dma_wait3A_101 = tpu.memref_slice %dma_wait3A_98[%dma_wait3A_99, %dma_wait3A_100] : memref<128x128xf32, #tpu.memory_space<hbm>> -> memref<128x64xf32, #tpu.memory_space<hbm>>
        %dma_wait3A_102 = arith.constant 0 : i32
        %dma_wait3A_103 = tpu.memref_slice %arg4[%add3A_53, %dma_wait3A_102] : memref<32768x128xf32, #tpu.memory_space<hbm>> -> memref<128x128xf32, #tpu.memory_space<hbm>>
        %dma_wait3A_104 = arith.constant 0 : i32
        %dma_wait3A_105 = arith.constant 64 : i32
        %dma_wait3A_106 = tpu.memref_slice %dma_wait3A_103[%dma_wait3A_104, %dma_wait3A_105] : memref<128x128xf32, #tpu.memory_space<hbm>> -> memref<128x64xf32, #tpu.memory_space<hbm>>
        %dma_wait3A_107 = arith.constant 0 : i32
        %dma_wait3A_108 = arith.constant 0 : i32
        %dma_wait3A_109 = tpu.memref_slice %arg9[%dma_wait3A_107, %dma_wait3A_108] : memref<128x128xf32, #tpu.memory_space<vmem>> -> memref<128x64xf32, #tpu.memory_space<vmem>>
        tpu.wait_dma2 semaphore(%run_scoped3A : memref<!tpu.dma_semaphore, #tpu.memory_space<semaphore_mem>>) src(%dma_wait3A_109 : memref<128x64xf32, #tpu.memory_space<vmem>>) dst(%dma_wait3A_106 : memref<128x64xf32, #tpu.memory_space<hbm>>)
        tpu.yield
      }) : () -> ()
      %add3A_54 = arith.constant 1 : i32
      %add3A_55 = arith.addi %add3A_33, %add3A_54 : i32
      %add3A_56 = arith.constant 1 : i32
      %add3A_57 = arith.addi %add3A_55, %add3A_56 : i32
      %lt3A_58 = arith.constant 8 : i32
      %lt3A_59 = arith.cmpi slt, %add3A_57, %lt3A_58 : i32
      %convert_element_type3A_60 = arith.extui %lt3A_59 : i1 to i32
      %cond3A_61 = arith.constant 0 : i32
      %cond3A_62 = arith.cmpi ne, %convert_element_type3A_60, %cond3A_61 : i32
      scf.if %cond3A_62 {
        %add3A_78 = arith.constant 1 : i32
        %add3A_79 = arith.addi %add3A_55, %add3A_78 : i32
        %dma_start3A_80 = arith.constant 0 : i32
        %dma_start3A_81 = tpu.memref_slice %arg6[%add3A_79, %dma_start3A_80] : memref<8x128xi32, #tpu.memory_space<vmem>> -> memref<1x128xi32, #tpu.memory_space<vmem>>
        %dma_start3A_82 = tpu.memref_squeeze %dma_start3A_81 : memref<1x128xi32, #tpu.memory_space<vmem>> -> memref<128xi32, #tpu.memory_space<vmem>>
        %dma_start3A_83 = arith.constant 0 : i32
        %dma_start3A_84 = arith.constant 0 : i32
        %dma_start3A_85 = tpu.memref_slice %arg2[%dma_start3A_83, %dma_start3A_84] : memref<100280x128xf32, #tpu.memory_space<hbm>> -> memref<100280x128xf32, #tpu.memory_space<hbm>>
        tpu.enqueue_indirect_dma source(%dma_start3A_85 : memref<100280x128xf32, #tpu.memory_space<hbm>>) target(%arg8 : memref<128x128xf32, #tpu.memory_space<vmem>>) offsets(%dma_start3A_82 : memref<128xi32, #tpu.memory_space<vmem>>) semaphore(%arg12 : memref<!tpu.dma_semaphore, #tpu.memory_space<semaphore_mem>>)
        %dma_start3A_86 = arith.constant 0 : i32
        %dma_start3A_87 = tpu.memref_slice %arg7[%add3A_79, %dma_start3A_86] : memref<8x128xi32, #tpu.memory_space<vmem>> -> memref<1x128xi32, #tpu.memory_space<vmem>>
        %dma_start3A_88 = tpu.memref_squeeze %dma_start3A_87 : memref<1x128xi32, #tpu.memory_space<vmem>> -> memref<128xi32, #tpu.memory_space<vmem>>
        %dma_start3A_89 = arith.constant 0 : i32
        %dma_start3A_90 = arith.constant 0 : i32
        %dma_start3A_91 = tpu.memref_slice %arg2[%dma_start3A_89, %dma_start3A_90] : memref<100280x128xf32, #tpu.memory_space<hbm>> -> memref<100280x128xf32, #tpu.memory_space<hbm>>
        tpu.enqueue_indirect_dma source(%dma_start3A_91 : memref<100280x128xf32, #tpu.memory_space<hbm>>) target(%arg9 : memref<128x128xf32, #tpu.memory_space<vmem>>) offsets(%dma_start3A_88 : memref<128xi32, #tpu.memory_space<vmem>>) semaphore(%arg12 : memref<!tpu.dma_semaphore, #tpu.memory_space<semaphore_mem>>)
      } else {
      }
      %dma_wait3A_63 = arith.constant 0 : i32
      %dma_wait3A_64 = tpu.memref_slice %arg6[%add3A_55, %dma_wait3A_63] : memref<8x128xi32, #tpu.memory_space<vmem>> -> memref<1x128xi32, #tpu.memory_space<vmem>>
      %dma_wait3A_65 = tpu.memref_squeeze %dma_wait3A_64 : memref<1x128xi32, #tpu.memory_space<vmem>> -> memref<128xi32, #tpu.memory_space<vmem>>
      %dma_wait3A_66 = arith.constant 0 : i32
      %dma_wait3A_67 = arith.constant 0 : i32
      %dma_wait3A_68 = tpu.memref_slice %arg2[%dma_wait3A_66, %dma_wait3A_67] : memref<100280x128xf32, #tpu.memory_space<hbm>> -> memref<100280x128xf32, #tpu.memory_space<hbm>>
      tpu.wait_indirect_dma semaphore(%arg13 : memref<!tpu.dma_semaphore, #tpu.memory_space<semaphore_mem>>) src(%dma_wait3A_68 : memref<100280x128xf32, #tpu.memory_space<hbm>>) dst(%arg10 : memref<128x128xf32, #tpu.memory_space<vmem>>)
      %dma_wait3A_69 = arith.constant 0 : i32
      %dma_wait3A_70 = tpu.memref_slice %arg7[%add3A_55, %dma_wait3A_69] : memref<8x128xi32, #tpu.memory_space<vmem>> -> memref<1x128xi32, #tpu.memory_space<vmem>>
      %dma_wait3A_71 = tpu.memref_squeeze %dma_wait3A_70 : memref<1x128xi32, #tpu.memory_space<vmem>> -> memref<128xi32, #tpu.memory_space<vmem>>
      %dma_wait3A_72 = arith.constant 0 : i32
      %dma_wait3A_73 = arith.constant 0 : i32
      %dma_wait3A_74 = tpu.memref_slice %arg2[%dma_wait3A_72, %dma_wait3A_73] : memref<100280x128xf32, #tpu.memory_space<hbm>> -> memref<100280x128xf32, #tpu.memory_space<hbm>>
      tpu.wait_indirect_dma semaphore(%arg13 : memref<!tpu.dma_semaphore, #tpu.memory_space<semaphore_mem>>) src(%dma_wait3A_74 : memref<100280x128xf32, #tpu.memory_space<hbm>>) dst(%arg11 : memref<128x128xf32, #tpu.memory_space<vmem>>)
      %mul3A_75 = arith.constant 128 : i32
      %mul3A_76 = arith.muli %add3A_55, %mul3A_75 : i32
      %add3A_77 = arith.addi %mul3A_2, %mul3A_76 : i32
      "tpu.region"() ({
        %run_scoped3A = tpu.sem_alloc : memref<!tpu.dma_semaphore, #tpu.memory_space<semaphore_mem>>
        %dma_start3A_78 = arith.constant 0 : i32
        %dma_start3A_79 = arith.constant 0 : i32
        %dma_start3A_80 = tpu.memref_slice %arg10[%dma_start3A_78, %dma_start3A_79] : memref<128x128xf32, #tpu.memory_space<vmem>> -> memref<128x64xf32, #tpu.memory_space<vmem>>
        %dma_start3A_81 = arith.constant 0 : i32
        %dma_start3A_82 = tpu.memref_slice %arg4[%add3A_77, %dma_start3A_81] : memref<32768x128xf32, #tpu.memory_space<hbm>> -> memref<128x128xf32, #tpu.memory_space<hbm>>
        %dma_start3A_83 = arith.constant 0 : i32
        %dma_start3A_84 = arith.constant 0 : i32
        %dma_start3A_85 = tpu.memref_slice %dma_start3A_82[%dma_start3A_83, %dma_start3A_84] : memref<128x128xf32, #tpu.memory_space<hbm>> -> memref<128x64xf32, #tpu.memory_space<hbm>>
        %dma_start3A_86 = arith.constant 0 : i32
        %dma_start3A_87 = tpu.memref_slice %arg4[%add3A_77, %dma_start3A_86] : memref<32768x128xf32, #tpu.memory_space<hbm>> -> memref<128x128xf32, #tpu.memory_space<hbm>>
        %dma_start3A_88 = arith.constant 0 : i32
        %dma_start3A_89 = arith.constant 0 : i32
        %dma_start3A_90 = tpu.memref_slice %dma_start3A_87[%dma_start3A_88, %dma_start3A_89] : memref<128x128xf32, #tpu.memory_space<hbm>> -> memref<128x64xf32, #tpu.memory_space<hbm>>
        %dma_start3A_91 = arith.constant 0 : i32
        %dma_start3A_92 = arith.constant 0 : i32
        %dma_start3A_93 = tpu.memref_slice %arg10[%dma_start3A_91, %dma_start3A_92] : memref<128x128xf32, #tpu.memory_space<vmem>> -> memref<128x64xf32, #tpu.memory_space<vmem>>
        tpu.enqueue_dma source(%dma_start3A_93 : memref<128x64xf32, #tpu.memory_space<vmem>>) target(%dma_start3A_90 : memref<128x64xf32, #tpu.memory_space<hbm>>) target_semaphore(%run_scoped3A : memref<!tpu.dma_semaphore, #tpu.memory_space<semaphore_mem>>)
        %dma_wait3A_94 = arith.constant 0 : i32
        %dma_wait3A_95 = arith.constant 0 : i32
        %dma_wait3A_96 = tpu.memref_slice %arg10[%dma_wait3A_94, %dma_wait3A_95] : memref<128x128xf32, #tpu.memory_space<vmem>> -> memref<128x64xf32, #tpu.memory_space<vmem>>
        %dma_wait3A_97 = arith.constant 0 : i32
        %dma_wait3A_98 = tpu.memref_slice %arg4[%add3A_77, %dma_wait3A_97] : memref<32768x128xf32, #tpu.memory_space<hbm>> -> memref<128x128xf32, #tpu.memory_space<hbm>>
        %dma_wait3A_99 = arith.constant 0 : i32
        %dma_wait3A_100 = arith.constant 0 : i32
        %dma_wait3A_101 = tpu.memref_slice %dma_wait3A_98[%dma_wait3A_99, %dma_wait3A_100] : memref<128x128xf32, #tpu.memory_space<hbm>> -> memref<128x64xf32, #tpu.memory_space<hbm>>
        %dma_wait3A_102 = arith.constant 0 : i32
        %dma_wait3A_103 = tpu.memref_slice %arg4[%add3A_77, %dma_wait3A_102] : memref<32768x128xf32, #tpu.memory_space<hbm>> -> memref<128x128xf32, #tpu.memory_space<hbm>>
        %dma_wait3A_104 = arith.constant 0 : i32
        %dma_wait3A_105 = arith.constant 0 : i32
        %dma_wait3A_106 = tpu.memref_slice %dma_wait3A_103[%dma_wait3A_104, %dma_wait3A_105] : memref<128x128xf32, #tpu.memory_space<hbm>> -> memref<128x64xf32, #tpu.memory_space<hbm>>
        %dma_wait3A_107 = arith.constant 0 : i32
        %dma_wait3A_108 = arith.constant 0 : i32
        %dma_wait3A_109 = tpu.memref_slice %arg10[%dma_wait3A_107, %dma_wait3A_108] : memref<128x128xf32, #tpu.memory_space<vmem>> -> memref<128x64xf32, #tpu.memory_space<vmem>>
        tpu.wait_dma2 semaphore(%run_scoped3A : memref<!tpu.dma_semaphore, #tpu.memory_space<semaphore_mem>>) src(%dma_wait3A_109 : memref<128x64xf32, #tpu.memory_space<vmem>>) dst(%dma_wait3A_106 : memref<128x64xf32, #tpu.memory_space<hbm>>)
        tpu.yield
      }) : () -> ()
      "tpu.region"() ({
        %run_scoped3A = tpu.sem_alloc : memref<!tpu.dma_semaphore, #tpu.memory_space<semaphore_mem>>
        %dma_start3A_78 = arith.constant 0 : i32
        %dma_start3A_79 = arith.constant 0 : i32
        %dma_start3A_80 = tpu.memref_slice %arg11[%dma_start3A_78, %dma_start3A_79] : memref<128x128xf32, #tpu.memory_space<vmem>> -> memref<128x64xf32, #tpu.memory_space<vmem>>
        %dma_start3A_81 = arith.constant 0 : i32
        %dma_start3A_82 = tpu.memref_slice %arg4[%add3A_77, %dma_start3A_81] : memref<32768x128xf32, #tpu.memory_space<hbm>> -> memref<128x128xf32, #tpu.memory_space<hbm>>
        %dma_start3A_83 = arith.constant 0 : i32
        %dma_start3A_84 = arith.constant 64 : i32
        %dma_start3A_85 = tpu.memref_slice %dma_start3A_82[%dma_start3A_83, %dma_start3A_84] : memref<128x128xf32, #tpu.memory_space<hbm>> -> memref<128x64xf32, #tpu.memory_space<hbm>>
        %dma_start3A_86 = arith.constant 0 : i32
        %dma_start3A_87 = tpu.memref_slice %arg4[%add3A_77, %dma_start3A_86] : memref<32768x128xf32, #tpu.memory_space<hbm>> -> memref<128x128xf32, #tpu.memory_space<hbm>>
        %dma_start3A_88 = arith.constant 0 : i32
        %dma_start3A_89 = arith.constant 64 : i32
        %dma_start3A_90 = tpu.memref_slice %dma_start3A_87[%dma_start3A_88, %dma_start3A_89] : memref<128x128xf32, #tpu.memory_space<hbm>> -> memref<128x64xf32, #tpu.memory_space<hbm>>
        %dma_start3A_91 = arith.constant 0 : i32
        %dma_start3A_92 = arith.constant 0 : i32
        %dma_start3A_93 = tpu.memref_slice %arg11[%dma_start3A_91, %dma_start3A_92] : memref<128x128xf32, #tpu.memory_space<vmem>> -> memref<128x64xf32, #tpu.memory_space<vmem>>
        tpu.enqueue_dma source(%dma_start3A_93 : memref<128x64xf32, #tpu.memory_space<vmem>>) target(%dma_start3A_90 : memref<128x64xf32, #tpu.memory_space<hbm>>) target_semaphore(%run_scoped3A : memref<!tpu.dma_semaphore, #tpu.memory_space<semaphore_mem>>)
        %dma_wait3A_94 = arith.constant 0 : i32
        %dma_wait3A_95 = arith.constant 0 : i32
        %dma_wait3A_96 = tpu.memref_slice %arg11[%dma_wait3A_94, %dma_wait3A_95] : memref<128x128xf32, #tpu.memory_space<vmem>> -> memref<128x64xf32, #tpu.memory_space<vmem>>
        %dma_wait3A_97 = arith.constant 0 : i32
        %dma_wait3A_98 = tpu.memref_slice %arg4[%add3A_77, %dma_wait3A_97] : memref<32768x128xf32, #tpu.memory_space<hbm>> -> memref<128x128xf32, #tpu.memory_space<hbm>>
        %dma_wait3A_99 = arith.constant 0 : i32
        %dma_wait3A_100 = arith.constant 64 : i32
        %dma_wait3A_101 = tpu.memref_slice %dma_wait3A_98[%dma_wait3A_99, %dma_wait3A_100] : memref<128x128xf32, #tpu.memory_space<hbm>> -> memref<128x64xf32, #tpu.memory_space<hbm>>
        %dma_wait3A_102 = arith.constant 0 : i32
        %dma_wait3A_103 = tpu.memref_slice %arg4[%add3A_77, %dma_wait3A_102] : memref<32768x128xf32, #tpu.memory_space<hbm>> -> memref<128x128xf32, #tpu.memory_space<hbm>>
        %dma_wait3A_104 = arith.constant 0 : i32
        %dma_wait3A_105 = arith.constant 64 : i32
        %dma_wait3A_106 = tpu.memref_slice %dma_wait3A_103[%dma_wait3A_104, %dma_wait3A_105] : memref<128x128xf32, #tpu.memory_space<hbm>> -> memref<128x64xf32, #tpu.memory_space<hbm>>
        %dma_wait3A_107 = arith.constant 0 : i32
        %dma_wait3A_108 = arith.constant 0 : i32
        %dma_wait3A_109 = tpu.memref_slice %arg11[%dma_wait3A_107, %dma_wait3A_108] : memref<128x128xf32, #tpu.memory_space<vmem>> -> memref<128x64xf32, #tpu.memory_space<vmem>>
        tpu.wait_dma2 semaphore(%run_scoped3A : memref<!tpu.dma_semaphore, #tpu.memory_space<semaphore_mem>>) src(%dma_wait3A_109 : memref<128x64xf32, #tpu.memory_space<vmem>>) dst(%dma_wait3A_106 : memref<128x64xf32, #tpu.memory_space<hbm>>)
        tpu.yield
      }) : () -> ()
    }
    %scan3A_28 = arith.constant 4 : i32
    return
  }
}

#map = affine_map<(d0, d1) -> (0, 0)>
#map1 = affine_map<(d0, d1) -> (0)>
module attributes {stable_mosaic.version = 14 : i64} {
  func.func @k(%arg0: i32, %arg1: i32, %arg2: memref<100280x128xf32, #tpu.memory_space<hbm>>, %arg3: memref<65536xi32, #tpu.memory_space<hbm>>, %arg4: memref<32768x128xf32, #tpu.memory_space<hbm>>, %arg5: memref<2048xi32, #tpu.memory_space<vmem>>, %arg6: memref<8x128xi32, #tpu.memory_space<vmem>>, %arg7: memref<8x128xi32, #tpu.memory_space<vmem>>, %arg8: memref<128x128xf32, #tpu.memory_space<vmem>>, %arg9: memref<128x128xf32, #tpu.memory_space<vmem>>, %arg10: memref<128x128xf32, #tpu.memory_space<vmem>>, %arg11: memref<128x128xf32, #tpu.memory_space<vmem>>, %arg12: memref<!tpu.dma_semaphore, #tpu.memory_space<semaphore_mem>>, %arg13: memref<!tpu.dma_semaphore, #tpu.memory_space<semaphore_mem>>) attributes {dimension_semantics = [#tpu.dimension_semantics<core_parallel>, #tpu.dimension_semantics<subcore_parallel>], iteration_bounds = array<i64: 2, 16>, scalar_prefetch = 0 : i64, scratch_operands = 9 : i64, tpu.core_type = #tpu.core_type<sc_vector_subcore>, window_params = [{transform_indices = #map}, {transform_indices = #map1}, {transform_indices = #map}]} {
    %mul3A = arith.constant 2 : i32
    %mul3A_0 = arith.muli %arg1, %mul3A : i32
    %add3A = arith.addi %mul3A_0, %arg0 : i32
    %mul3A_1 = arith.constant 1024 : i32
    %mul3A_2 = arith.muli %add3A, %mul3A_1 : i32
    %mul3A_3 = arith.constant 64 : i32
    %mul3A_4 = arith.muli %add3A, %mul3A_3 : i32
    %mul3A_5 = arith.constant 32 : i32
    %mul3A_6 = arith.muli %mul3A_4, %mul3A_5 : i32
    "tpu.region"() ({
      %run_scoped3A = tpu.sem_alloc : memref<!tpu.dma_semaphore, #tpu.memory_space<semaphore_mem>>
      %dma_start3A_29 = tpu.memref_slice %arg3[%mul3A_6] : memref<65536xi32, #tpu.memory_space<hbm>> -> memref<2048xi32, #tpu.memory_space<hbm>>
      %dma_start3A_30 = tpu.memref_slice %arg3[%mul3A_6] : memref<65536xi32, #tpu.memory_space<hbm>> -> memref<2048xi32, #tpu.memory_space<hbm>>
      tpu.enqueue_dma source(%dma_start3A_30 : memref<2048xi32, #tpu.memory_space<hbm>>) target(%arg5 : memref<2048xi32, #tpu.memory_space<vmem>>) target_semaphore(%run_scoped3A : memref<!tpu.dma_semaphore, #tpu.memory_space<semaphore_mem>>)
      %dma_wait3A = tpu.memref_slice %arg3[%mul3A_6] : memref<65536xi32, #tpu.memory_space<hbm>> -> memref<2048xi32, #tpu.memory_space<hbm>>
      %dma_wait3A_31 = tpu.memref_slice %arg3[%mul3A_6] : memref<65536xi32, #tpu.memory_space<hbm>> -> memref<2048xi32, #tpu.memory_space<hbm>>
      tpu.wait_dma2 semaphore(%run_scoped3A : memref<!tpu.dma_semaphore, #tpu.memory_space<semaphore_mem>>) src(%dma_wait3A_31 : memref<2048xi32, #tpu.memory_space<hbm>>) dst(%arg5 : memref<2048xi32, #tpu.memory_space<vmem>>)
      tpu.yield
    }) : () -> ()
    %scan3A = arith.constant 0 : i32
    %scan3A_7 = arith.constant 8 : i32
    %scan3A_8 = arith.addi %scan3A, %scan3A_7 : i32
    %scan3A_9 = arith.constant 1 : i32
    scf.for %scan3A_29 = %scan3A to %scan3A_8 step %scan3A_9  : i32 {
      %mul3A_30 = arith.constant 1 : i32
      %mul3A_31 = arith.muli %scan3A_29, %mul3A_30 : i32
      %add3A_32 = arith.constant 0 : i32
      %add3A_33 = arith.addi %add3A_32, %mul3A_31 : i32
      %mul3A_34 = arith.constant 8 : i32
      %mul3A_35 = arith.muli %add3A_33, %mul3A_34 : i32
      %add3A_36 = arith.constant 0 : i32
      %add3A_37 = arith.addi %mul3A_35, %add3A_36 : i32
      %mul3A_38 = arith.constant 32 : i32
      %mul3A_39 = arith.muli %add3A_37, %mul3A_38 : i32
      %get3A = arith.index_cast %mul3A_39 : i32 to index
      %get3A_40 = tpu.vector_load %arg5[%get3A] {strides = array<i32>} : memref<2048xi32, #tpu.memory_space<vmem>>, vector<16xi32>,
      %get3A_41 = vector.shape_cast %get3A_40 : vector<16xi32> to vector<16xi32>
      %swap3A = arith.index_cast %add3A_33 : i32 to index
      %swap3A_42 = arith.constant 0 : index
      %swap3A_43 = tpu.vector_load %arg6[%swap3A, %swap3A_42] {strides = array<i32>} : memref<8x128xi32, #tpu.memory_space<vmem>>, vector<1x16xi32>,
      %swap3A_44 = vector.shape_cast %swap3A_43 : vector<1x16xi32> to vector<16xi32>
      %swap3A_45 = vector.shape_cast %get3A_41 : vector<16xi32> to vector<1x16xi32>
      tpu.vector_store %arg6[%swap3A, %swap3A_42], %swap3A_45 {strides = array<i32>} : memref<8x128xi32, #tpu.memory_space<vmem>>, vector<1x16xi32>,
      %add3A_46 = arith.constant 16 : i32
      %add3A_47 = arith.addi %mul3A_39, %add3A_46 : i32
      %get3A_48 = arith.index_cast %add3A_47 : i32 to index
      %get3A_49 = tpu.vector_load %arg5[%get3A_48] {strides = array<i32>} : memref<2048xi32, #tpu.memory_space<vmem>>, vector<16xi32>,
      %get3A_50 = vector.shape_cast %get3A_49 : vector<16xi32> to vector<16xi32>
      %swap3A_51 = arith.index_cast %add3A_33 : i32 to index
      %swap3A_52 = arith.constant 0 : index
      %swap3A_53 = tpu.vector_load %arg7[%swap3A_51, %swap3A_52] {strides = array<i32>} : memref<8x128xi32, #tpu.memory_space<vmem>>, vector<1x16xi32>,
      %swap3A_54 = vector.shape_cast %swap3A_53 : vector<1x16xi32> to vector<16xi32>
      %swap3A_55 = vector.shape_cast %get3A_50 : vector<16xi32> to vector<1x16xi32>
      tpu.vector_store %arg7[%swap3A_51, %swap3A_52], %swap3A_55 {strides = array<i32>} : memref<8x128xi32, #tpu.memory_space<vmem>>, vector<1x16xi32>,
      %mul3A_56 = arith.constant 8 : i32
      %mul3A_57 = arith.muli %add3A_33, %mul3A_56 : i32
      %add3A_58 = arith.constant 1 : i32
      %add3A_59 = arith.addi %mul3A_57, %add3A_58 : i32
      %mul3A_60 = arith.constant 32 : i32
      %mul3A_61 = arith.muli %add3A_59, %mul3A_60 : i32
      %get3A_62 = arith.index_cast %mul3A_61 : i32 to index
      %get3A_63 = tpu.vector_load %arg5[%get3A_62] {strides = array<i32>} : memref<2048xi32, #tpu.memory_space<vmem>>, vector<16xi32>,
      %get3A_64 = vector.shape_cast %get3A_63 : vector<16xi32> to vector<16xi32>
      %swap3A_65 = arith.index_cast %add3A_33 : i32 to index
      %swap3A_66 = arith.constant 16 : index
      %swap3A_67 = tpu.vector_load %arg6[%swap3A_65, %swap3A_66] {strides = array<i32>} : memref<8x128xi32, #tpu.memory_space<vmem>>, vector<1x16xi32>,
      %swap3A_68 = vector.shape_cast %swap3A_67 : vector<1x16xi32> to vector<16xi32>
      %swap3A_69 = vector.shape_cast %get3A_64 : vector<16xi32> to vector<1x16xi32>
      tpu.vector_store %arg6[%swap3A_65, %swap3A_66], %swap3A_69 {strides = array<i32>} : memref<8x128xi32, #tpu.memory_space<vmem>>, vector<1x16xi32>,
      %add3A_70 = arith.constant 16 : i32
      %add3A_71 = arith.addi %mul3A_61, %add3A_70 : i32
      %get3A_72 = arith.index_cast %add3A_71 : i32 to index
      %get3A_73 = tpu.vector_load %arg5[%get3A_72] {strides = array<i32>} : memref<2048xi32, #tpu.memory_space<vmem>>, vector<16xi32>,
      %get3A_74 = vector.shape_cast %get3A_73 : vector<16xi32> to vector<16xi32>
      %swap3A_75 = arith.index_cast %add3A_33 : i32 to index
      %swap3A_76 = arith.constant 16 : index
      %swap3A_77 = tpu.vector_load %arg7[%swap3A_75, %swap3A_76] {strides = array<i32>} : memref<8x128xi32, #tpu.memory_space<vmem>>, vector<1x16xi32>,
      %swap3A_78 = vector.shape_cast %swap3A_77 : vector<1x16xi32> to vector<16xi32>
      %swap3A_79 = vector.shape_cast %get3A_74 : vector<16xi32> to vector<1x16xi32>
      tpu.vector_store %arg7[%swap3A_75, %swap3A_76], %swap3A_79 {strides = array<i32>} : memref<8x128xi32, #tpu.memory_space<vmem>>, vector<1x16xi32>,
      %mul3A_80 = arith.constant 8 : i32
      %mul3A_81 = arith.muli %add3A_33, %mul3A_80 : i32
      %add3A_82 = arith.constant 2 : i32
      %add3A_83 = arith.addi %mul3A_81, %add3A_82 : i32
      %mul3A_84 = arith.constant 32 : i32
      %mul3A_85 = arith.muli %add3A_83, %mul3A_84 : i32
      %get3A_86 = arith.index_cast %mul3A_85 : i32 to index
      %get3A_87 = tpu.vector_load %arg5[%get3A_86] {strides = array<i32>} : memref<2048xi32, #tpu.memory_space<vmem>>, vector<16xi32>,
      %get3A_88 = vector.shape_cast %get3A_87 : vector<16xi32> to vector<16xi32>
      %swap3A_89 = arith.index_cast %add3A_33 : i32 to index
      %swap3A_90 = arith.constant 32 : index
      %swap3A_91 = tpu.vector_load %arg6[%swap3A_89, %swap3A_90] {strides = array<i32>} : memref<8x128xi32, #tpu.memory_space<vmem>>, vector<1x16xi32>,
      %swap3A_92 = vector.shape_cast %swap3A_91 : vector<1x16xi32> to vector<16xi32>
      %swap3A_93 = vector.shape_cast %get3A_88 : vector<16xi32> to vector<1x16xi32>
      tpu.vector_store %arg6[%swap3A_89, %swap3A_90], %swap3A_93 {strides = array<i32>} : memref<8x128xi32, #tpu.memory_space<vmem>>, vector<1x16xi32>,
      %add3A_94 = arith.constant 16 : i32
      %add3A_95 = arith.addi %mul3A_85, %add3A_94 : i32
      %get3A_96 = arith.index_cast %add3A_95 : i32 to index
      %get3A_97 = tpu.vector_load %arg5[%get3A_96] {strides = array<i32>} : memref<2048xi32, #tpu.memory_space<vmem>>, vector<16xi32>,
      %get3A_98 = vector.shape_cast %get3A_97 : vector<16xi32> to vector<16xi32>
      %swap3A_99 = arith.index_cast %add3A_33 : i32 to index
      %swap3A_100 = arith.constant 32 : index
      %swap3A_101 = tpu.vector_load %arg7[%swap3A_99, %swap3A_100] {strides = array<i32>} : memref<8x128xi32, #tpu.memory_space<vmem>>, vector<1x16xi32>,
      %swap3A_102 = vector.shape_cast %swap3A_101 : vector<1x16xi32> to vector<16xi32>
      %swap3A_103 = vector.shape_cast %get3A_98 : vector<16xi32> to vector<1x16xi32>
      tpu.vector_store %arg7[%swap3A_99, %swap3A_100], %swap3A_103 {strides = array<i32>} : memref<8x128xi32, #tpu.memory_space<vmem>>, vector<1x16xi32>,
      %mul3A_104 = arith.constant 8 : i32
      %mul3A_105 = arith.muli %add3A_33, %mul3A_104 : i32
      %add3A_106 = arith.constant 3 : i32
      %add3A_107 = arith.addi %mul3A_105, %add3A_106 : i32
      %mul3A_108 = arith.constant 32 : i32
      %mul3A_109 = arith.muli %add3A_107, %mul3A_108 : i32
      %get3A_110 = arith.index_cast %mul3A_109 : i32 to index
      %get3A_111 = tpu.vector_load %arg5[%get3A_110] {strides = array<i32>} : memref<2048xi32, #tpu.memory_space<vmem>>, vector<16xi32>,
      %get3A_112 = vector.shape_cast %get3A_111 : vector<16xi32> to vector<16xi32>
      %swap3A_113 = arith.index_cast %add3A_33 : i32 to index
      %swap3A_114 = arith.constant 48 : index
      %swap3A_115 = tpu.vector_load %arg6[%swap3A_113, %swap3A_114] {strides = array<i32>} : memref<8x128xi32, #tpu.memory_space<vmem>>, vector<1x16xi32>,
      %swap3A_116 = vector.shape_cast %swap3A_115 : vector<1x16xi32> to vector<16xi32>
      %swap3A_117 = vector.shape_cast %get3A_112 : vector<16xi32> to vector<1x16xi32>
      tpu.vector_store %arg6[%swap3A_113, %swap3A_114], %swap3A_117 {strides = array<i32>} : memref<8x128xi32, #tpu.memory_space<vmem>>, vector<1x16xi32>,
      %add3A_118 = arith.constant 16 : i32
      %add3A_119 = arith.addi %mul3A_109, %add3A_118 : i32
      %get3A_120 = arith.index_cast %add3A_119 : i32 to index
      %get3A_121 = tpu.vector_load %arg5[%get3A_120] {strides = array<i32>} : memref<2048xi32, #tpu.memory_space<vmem>>, vector<16xi32>,
      %get3A_122 = vector.shape_cast %get3A_121 : vector<16xi32> to vector<16xi32>
      %swap3A_123 = arith.index_cast %add3A_33 : i32 to index
      %swap3A_124 = arith.constant 48 : index
      %swap3A_125 = tpu.vector_load %arg7[%swap3A_123, %swap3A_124] {strides = array<i32>} : memref<8x128xi32, #tpu.memory_space<vmem>>, vector<1x16xi32>,
      %swap3A_126 = vector.shape_cast %swap3A_125 : vector<1x16xi32> to vector<16xi32>
      %swap3A_127 = vector.shape_cast %get3A_122 : vector<16xi32> to vector<1x16xi32>
      tpu.vector_store %arg7[%swap3A_123, %swap3A_124], %swap3A_127 {strides = array<i32>} : memref<8x128xi32, #tpu.memory_space<vmem>>, vector<1x16xi32>,
      %mul3A_128 = arith.constant 8 : i32
      %mul3A_129 = arith.muli %add3A_33, %mul3A_128 : i32
      %add3A_130 = arith.constant 4 : i32
      %add3A_131 = arith.addi %mul3A_129, %add3A_130 : i32
      %mul3A_132 = arith.constant 32 : i32
      %mul3A_133 = arith.muli %add3A_131, %mul3A_132 : i32
      %get3A_134 = arith.index_cast %mul3A_133 : i32 to index
      %get3A_135 = tpu.vector_load %arg5[%get3A_134] {strides = array<i32>} : memref<2048xi32, #tpu.memory_space<vmem>>, vector<16xi32>,
      %get3A_136 = vector.shape_cast %get3A_135 : vector<16xi32> to vector<16xi32>
      %swap3A_137 = arith.index_cast %add3A_33 : i32 to index
      %swap3A_138 = arith.constant 64 : index
      %swap3A_139 = tpu.vector_load %arg6[%swap3A_137, %swap3A_138] {strides = array<i32>} : memref<8x128xi32, #tpu.memory_space<vmem>>, vector<1x16xi32>,
      %swap3A_140 = vector.shape_cast %swap3A_139 : vector<1x16xi32> to vector<16xi32>
      %swap3A_141 = vector.shape_cast %get3A_136 : vector<16xi32> to vector<1x16xi32>
      tpu.vector_store %arg6[%swap3A_137, %swap3A_138], %swap3A_141 {strides = array<i32>} : memref<8x128xi32, #tpu.memory_space<vmem>>, vector<1x16xi32>,
      %add3A_142 = arith.constant 16 : i32
      %add3A_143 = arith.addi %mul3A_133, %add3A_142 : i32
      %get3A_144 = arith.index_cast %add3A_143 : i32 to index
      %get3A_145 = tpu.vector_load %arg5[%get3A_144] {strides = array<i32>} : memref<2048xi32, #tpu.memory_space<vmem>>, vector<16xi32>,
      %get3A_146 = vector.shape_cast %get3A_145 : vector<16xi32> to vector<16xi32>
      %swap3A_147 = arith.index_cast %add3A_33 : i32 to index
      %swap3A_148 = arith.constant 64 : index
      %swap3A_149 = tpu.vector_load %arg7[%swap3A_147, %swap3A_148] {strides = array<i32>} : memref<8x128xi32, #tpu.memory_space<vmem>>, vector<1x16xi32>,
      %swap3A_150 = vector.shape_cast %swap3A_149 : vector<1x16xi32> to vector<16xi32>
      %swap3A_151 = vector.shape_cast %get3A_146 : vector<16xi32> to vector<1x16xi32>
      tpu.vector_store %arg7[%swap3A_147, %swap3A_148], %swap3A_151 {strides = array<i32>} : memref<8x128xi32, #tpu.memory_space<vmem>>, vector<1x16xi32>,
      %mul3A_152 = arith.constant 8 : i32
      %mul3A_153 = arith.muli %add3A_33, %mul3A_152 : i32
      %add3A_154 = arith.constant 5 : i32
      %add3A_155 = arith.addi %mul3A_153, %add3A_154 : i32
      %mul3A_156 = arith.constant 32 : i32
      %mul3A_157 = arith.muli %add3A_155, %mul3A_156 : i32
      %get3A_158 = arith.index_cast %mul3A_157 : i32 to index
      %get3A_159 = tpu.vector_load %arg5[%get3A_158] {strides = array<i32>} : memref<2048xi32, #tpu.memory_space<vmem>>, vector<16xi32>,
      %get3A_160 = vector.shape_cast %get3A_159 : vector<16xi32> to vector<16xi32>
      %swap3A_161 = arith.index_cast %add3A_33 : i32 to index
      %swap3A_162 = arith.constant 80 : index
      %swap3A_163 = tpu.vector_load %arg6[%swap3A_161, %swap3A_162] {strides = array<i32>} : memref<8x128xi32, #tpu.memory_space<vmem>>, vector<1x16xi32>,
      %swap3A_164 = vector.shape_cast %swap3A_163 : vector<1x16xi32> to vector<16xi32>
      %swap3A_165 = vector.shape_cast %get3A_160 : vector<16xi32> to vector<1x16xi32>
      tpu.vector_store %arg6[%swap3A_161, %swap3A_162], %swap3A_165 {strides = array<i32>} : memref<8x128xi32, #tpu.memory_space<vmem>>, vector<1x16xi32>,
      %add3A_166 = arith.constant 16 : i32
      %add3A_167 = arith.addi %mul3A_157, %add3A_166 : i32
      %get3A_168 = arith.index_cast %add3A_167 : i32 to index
      %get3A_169 = tpu.vector_load %arg5[%get3A_168] {strides = array<i32>} : memref<2048xi32, #tpu.memory_space<vmem>>, vector<16xi32>,
      %get3A_170 = vector.shape_cast %get3A_169 : vector<16xi32> to vector<16xi32>
      %swap3A_171 = arith.index_cast %add3A_33 : i32 to index
      %swap3A_172 = arith.constant 80 : index
      %swap3A_173 = tpu.vector_load %arg7[%swap3A_171, %swap3A_172] {strides = array<i32>} : memref<8x128xi32, #tpu.memory_space<vmem>>, vector<1x16xi32>,
      %swap3A_174 = vector.shape_cast %swap3A_173 : vector<1x16xi32> to vector<16xi32>
      %swap3A_175 = vector.shape_cast %get3A_170 : vector<16xi32> to vector<1x16xi32>
      tpu.vector_store %arg7[%swap3A_171, %swap3A_172], %swap3A_175 {strides = array<i32>} : memref<8x128xi32, #tpu.memory_space<vmem>>, vector<1x16xi32>,
      %mul3A_176 = arith.constant 8 : i32
      %mul3A_177 = arith.muli %add3A_33, %mul3A_176 : i32
      %add3A_178 = arith.constant 6 : i32
      %add3A_179 = arith.addi %mul3A_177, %add3A_178 : i32
      %mul3A_180 = arith.constant 32 : i32
      %mul3A_181 = arith.muli %add3A_179, %mul3A_180 : i32
      %get3A_182 = arith.index_cast %mul3A_181 : i32 to index
      %get3A_183 = tpu.vector_load %arg5[%get3A_182] {strides = array<i32>} : memref<2048xi32, #tpu.memory_space<vmem>>, vector<16xi32>,
      %get3A_184 = vector.shape_cast %get3A_183 : vector<16xi32> to vector<16xi32>
      %swap3A_185 = arith.index_cast %add3A_33 : i32 to index
      %swap3A_186 = arith.constant 96 : index
      %swap3A_187 = tpu.vector_load %arg6[%swap3A_185, %swap3A_186] {strides = array<i32>} : memref<8x128xi32, #tpu.memory_space<vmem>>, vector<1x16xi32>,
      %swap3A_188 = vector.shape_cast %swap3A_187 : vector<1x16xi32> to vector<16xi32>
      %swap3A_189 = vector.shape_cast %get3A_184 : vector<16xi32> to vector<1x16xi32>
      tpu.vector_store %arg6[%swap3A_185, %swap3A_186], %swap3A_189 {strides = array<i32>} : memref<8x128xi32, #tpu.memory_space<vmem>>, vector<1x16xi32>,
      %add3A_190 = arith.constant 16 : i32
      %add3A_191 = arith.addi %mul3A_181, %add3A_190 : i32
      %get3A_192 = arith.index_cast %add3A_191 : i32 to index
      %get3A_193 = tpu.vector_load %arg5[%get3A_192] {strides = array<i32>} : memref<2048xi32, #tpu.memory_space<vmem>>, vector<16xi32>,
      %get3A_194 = vector.shape_cast %get3A_193 : vector<16xi32> to vector<16xi32>
      %swap3A_195 = arith.index_cast %add3A_33 : i32 to index
      %swap3A_196 = arith.constant 96 : index
      %swap3A_197 = tpu.vector_load %arg7[%swap3A_195, %swap3A_196] {strides = array<i32>} : memref<8x128xi32, #tpu.memory_space<vmem>>, vector<1x16xi32>,
      %swap3A_198 = vector.shape_cast %swap3A_197 : vector<1x16xi32> to vector<16xi32>
      %swap3A_199 = vector.shape_cast %get3A_194 : vector<16xi32> to vector<1x16xi32>
      tpu.vector_store %arg7[%swap3A_195, %swap3A_196], %swap3A_199 {strides = array<i32>} : memref<8x128xi32, #tpu.memory_space<vmem>>, vector<1x16xi32>,
      %mul3A_200 = arith.constant 8 : i32
      %mul3A_201 = arith.muli %add3A_33, %mul3A_200 : i32
      %add3A_202 = arith.constant 7 : i32
      %add3A_203 = arith.addi %mul3A_201, %add3A_202 : i32
      %mul3A_204 = arith.constant 32 : i32
      %mul3A_205 = arith.muli %add3A_203, %mul3A_204 : i32
      %get3A_206 = arith.index_cast %mul3A_205 : i32 to index
      %get3A_207 = tpu.vector_load %arg5[%get3A_206] {strides = array<i32>} : memref<2048xi32, #tpu.memory_space<vmem>>, vector<16xi32>,
      %get3A_208 = vector.shape_cast %get3A_207 : vector<16xi32> to vector<16xi32>
      %swap3A_209 = arith.index_cast %add3A_33 : i32 to index
      %swap3A_210 = arith.constant 112 : index
      %swap3A_211 = tpu.vector_load %arg6[%swap3A_209, %swap3A_210] {strides = array<i32>} : memref<8x128xi32, #tpu.memory_space<vmem>>, vector<1x16xi32>,
      %swap3A_212 = vector.shape_cast %swap3A_211 : vector<1x16xi32> to vector<16xi32>
      %swap3A_213 = vector.shape_cast %get3A_208 : vector<16xi32> to vector<1x16xi32>
      tpu.vector_store %arg6[%swap3A_209, %swap3A_210], %swap3A_213 {strides = array<i32>} : memref<8x128xi32, #tpu.memory_space<vmem>>, vector<1x16xi32>,
      %add3A_214 = arith.constant 16 : i32
      %add3A_215 = arith.addi %mul3A_205, %add3A_214 : i32
      %get3A_216 = arith.index_cast %add3A_215 : i32 to index
      %get3A_217 = tpu.vector_load %arg5[%get3A_216] {strides = array<i32>} : memref<2048xi32, #tpu.memory_space<vmem>>, vector<16xi32>,
      %get3A_218 = vector.shape_cast %get3A_217 : vector<16xi32> to vector<16xi32>
      %swap3A_219 = arith.index_cast %add3A_33 : i32 to index
      %swap3A_220 = arith.constant 112 : index
      %swap3A_221 = tpu.vector_load %arg7[%swap3A_219, %swap3A_220] {strides = array<i32>} : memref<8x128xi32, #tpu.memory_space<vmem>>, vector<1x16xi32>,
      %swap3A_222 = vector.shape_cast %swap3A_221 : vector<1x16xi32> to vector<16xi32>
      %swap3A_223 = vector.shape_cast %get3A_218 : vector<16xi32> to vector<1x16xi32>
      tpu.vector_store %arg7[%swap3A_219, %swap3A_220], %swap3A_223 {strides = array<i32>} : memref<8x128xi32, #tpu.memory_space<vmem>>, vector<1x16xi32>,
    }
    %scan3A_10 = arith.constant 8 : i32
    %dma_start3A = arith.constant 0 : i32
    %dma_start3A_11 = arith.constant 0 : i32
    %dma_start3A_12 = tpu.memref_slice %arg6[%dma_start3A, %dma_start3A_11] : memref<8x128xi32, #tpu.memory_space<vmem>> -> memref<1x128xi32, #tpu.memory_space<vmem>>
    %dma_start3A_13 = tpu.memref_squeeze %dma_start3A_12 : memref<1x128xi32, #tpu.memory_space<vmem>> -> memref<128xi32, #tpu.memory_space<vmem>>
    %dma_start3A_14 = arith.constant 0 : i32
    %dma_start3A_15 = arith.constant 0 : i32
    %dma_start3A_16 = tpu.memref_slice %arg2[%dma_start3A_14, %dma_start3A_15] : memref<100280x128xf32, #tpu.memory_space<hbm>> -> memref<100280x128xf32, #tpu.memory_space<hbm>>
    tpu.enqueue_indirect_dma source(%dma_start3A_16 : memref<100280x128xf32, #tpu.memory_space<hbm>>) target(%arg8 : memref<128x128xf32, #tpu.memory_space<vmem>>) offsets(%dma_start3A_13 : memref<128xi32, #tpu.memory_space<vmem>>) semaphore(%arg12 : memref<!tpu.dma_semaphore, #tpu.memory_space<semaphore_mem>>)
    %dma_start3A_17 = arith.constant 0 : i32
    %dma_start3A_18 = arith.constant 0 : i32
    %dma_start3A_19 = tpu.memref_slice %arg7[%dma_start3A_17, %dma_start3A_18] : memref<8x128xi32, #tpu.memory_space<vmem>> -> memref<1x128xi32, #tpu.memory_space<vmem>>
    %dma_start3A_20 = tpu.memref_squeeze %dma_start3A_19 : memref<1x128xi32, #tpu.memory_space<vmem>> -> memref<128xi32, #tpu.memory_space<vmem>>
    %dma_start3A_21 = arith.constant 0 : i32
    %dma_start3A_22 = arith.constant 0 : i32
    %dma_start3A_23 = tpu.memref_slice %arg2[%dma_start3A_21, %dma_start3A_22] : memref<100280x128xf32, #tpu.memory_space<hbm>> -> memref<100280x128xf32, #tpu.memory_space<hbm>>
    tpu.enqueue_indirect_dma source(%dma_start3A_23 : memref<100280x128xf32, #tpu.memory_space<hbm>>) target(%arg9 : memref<128x128xf32, #tpu.memory_space<vmem>>) offsets(%dma_start3A_20 : memref<128xi32, #tpu.memory_space<vmem>>) semaphore(%arg12 : memref<!tpu.dma_semaphore, #tpu.memory_space<semaphore_mem>>)
    %scan3A_24 = arith.constant 0 : i32
    %scan3A_25 = arith.constant 4 : i32
    %scan3A_26 = arith.addi %scan3A_24, %scan3A_25 : i32
    %scan3A_27 = arith.constant 1 : i32
    scf.for %scan3A_29 = %scan3A_24 to %scan3A_26 step %scan3A_27  : i32 {
      %mul3A_30 = arith.constant 2 : i32
      %mul3A_31 = arith.muli %scan3A_29, %mul3A_30 : i32
      %add3A_32 = arith.constant 0 : i32
      %add3A_33 = arith.addi %add3A_32, %mul3A_31 : i32
      %add3A_34 = arith.constant 0 : i32
      %add3A_35 = arith.addi %add3A_33, %add3A_34 : i32
      %add3A_36 = arith.constant 1 : i32
      %add3A_37 = arith.addi %add3A_35, %add3A_36 : i32
      %lt3A = arith.constant 8 : i32
      %lt3A_38 = arith.cmpi slt, %add3A_37, %lt3A : i32
      %convert_element_type3A = arith.extui %lt3A_38 : i1 to i32
      %cond3A = arith.constant 0 : i32
      %cond3A_39 = arith.cmpi ne, %convert_element_type3A, %cond3A : i32
      scf.if %cond3A_39 {
        %add3A_78 = arith.constant 1 : i32
        %add3A_79 = arith.addi %add3A_35, %add3A_78 : i32
        %dma_start3A_80 = arith.constant 0 : i32
        %dma_start3A_81 = tpu.memref_slice %arg6[%add3A_79, %dma_start3A_80] : memref<8x128xi32, #tpu.memory_space<vmem>> -> memref<1x128xi32, #tpu.memory_space<vmem>>
        %dma_start3A_82 = tpu.memref_squeeze %dma_start3A_81 : memref<1x128xi32, #tpu.memory_space<vmem>> -> memref<128xi32, #tpu.memory_space<vmem>>
        %dma_start3A_83 = arith.constant 0 : i32
        %dma_start3A_84 = arith.constant 0 : i32
        %dma_start3A_85 = tpu.memref_slice %arg2[%dma_start3A_83, %dma_start3A_84] : memref<100280x128xf32, #tpu.memory_space<hbm>> -> memref<100280x128xf32, #tpu.memory_space<hbm>>
        tpu.enqueue_indirect_dma source(%dma_start3A_85 : memref<100280x128xf32, #tpu.memory_space<hbm>>) target(%arg10 : memref<128x128xf32, #tpu.memory_space<vmem>>) offsets(%dma_start3A_82 : memref<128xi32, #tpu.memory_space<vmem>>) semaphore(%arg13 : memref<!tpu.dma_semaphore, #tpu.memory_space<semaphore_mem>>)
        %dma_start3A_86 = arith.constant 0 : i32
        %dma_start3A_87 = tpu.memref_slice %arg7[%add3A_79, %dma_start3A_86] : memref<8x128xi32, #tpu.memory_space<vmem>> -> memref<1x128xi32, #tpu.memory_space<vmem>>
        %dma_start3A_88 = tpu.memref_squeeze %dma_start3A_87 : memref<1x128xi32, #tpu.memory_space<vmem>> -> memref<128xi32, #tpu.memory_space<vmem>>
        %dma_start3A_89 = arith.constant 0 : i32
        %dma_start3A_90 = arith.constant 0 : i32
        %dma_start3A_91 = tpu.memref_slice %arg2[%dma_start3A_89, %dma_start3A_90] : memref<100280x128xf32, #tpu.memory_space<hbm>> -> memref<100280x128xf32, #tpu.memory_space<hbm>>
        tpu.enqueue_indirect_dma source(%dma_start3A_91 : memref<100280x128xf32, #tpu.memory_space<hbm>>) target(%arg11 : memref<128x128xf32, #tpu.memory_space<vmem>>) offsets(%dma_start3A_88 : memref<128xi32, #tpu.memory_space<vmem>>) semaphore(%arg13 : memref<!tpu.dma_semaphore, #tpu.memory_space<semaphore_mem>>)
      } else {
      }
      %dma_wait3A = arith.constant 0 : i32
      %dma_wait3A_40 = tpu.memref_slice %arg6[%add3A_35, %dma_wait3A] : memref<8x128xi32, #tpu.memory_space<vmem>> -> memref<1x128xi32, #tpu.memory_space<vmem>>
      %dma_wait3A_41 = tpu.memref_squeeze %dma_wait3A_40 : memref<1x128xi32, #tpu.memory_space<vmem>> -> memref<128xi32, #tpu.memory_space<vmem>>
      %dma_wait3A_42 = arith.constant 0 : i32
      %dma_wait3A_43 = arith.constant 0 : i32
      %dma_wait3A_44 = tpu.memref_slice %arg2[%dma_wait3A_42, %dma_wait3A_43] : memref<100280x128xf32, #tpu.memory_space<hbm>> -> memref<100280x128xf32, #tpu.memory_space<hbm>>
      tpu.wait_indirect_dma semaphore(%arg12 : memref<!tpu.dma_semaphore, #tpu.memory_space<semaphore_mem>>) src(%dma_wait3A_44 : memref<100280x128xf32, #tpu.memory_space<hbm>>) dst(%arg8 : memref<128x128xf32, #tpu.memory_space<vmem>>)
      %dma_wait3A_45 = arith.constant 0 : i32
      %dma_wait3A_46 = tpu.memref_slice %arg7[%add3A_35, %dma_wait3A_45] : memref<8x128xi32, #tpu.memory_space<vmem>> -> memref<1x128xi32, #tpu.memory_space<vmem>>
      %dma_wait3A_47 = tpu.memref_squeeze %dma_wait3A_46 : memref<1x128xi32, #tpu.memory_space<vmem>> -> memref<128xi32, #tpu.memory_space<vmem>>
      %dma_wait3A_48 = arith.constant 0 : i32
      %dma_wait3A_49 = arith.constant 0 : i32
      %dma_wait3A_50 = tpu.memref_slice %arg2[%dma_wait3A_48, %dma_wait3A_49] : memref<100280x128xf32, #tpu.memory_space<hbm>> -> memref<100280x128xf32, #tpu.memory_space<hbm>>
      tpu.wait_indirect_dma semaphore(%arg12 : memref<!tpu.dma_semaphore, #tpu.memory_space<semaphore_mem>>) src(%dma_wait3A_50 : memref<100280x128xf32, #tpu.memory_space<hbm>>) dst(%arg9 : memref<128x128xf32, #tpu.memory_space<vmem>>)
      %mul3A_51 = arith.constant 128 : i32
      %mul3A_52 = arith.muli %add3A_35, %mul3A_51 : i32
      %add3A_53 = arith.addi %mul3A_2, %mul3A_52 : i32
      "tpu.region"() ({
        %run_scoped3A = tpu.sem_alloc : memref<!tpu.dma_semaphore, #tpu.memory_space<semaphore_mem>>
        %dma_start3A_78 = arith.constant 0 : i32
        %dma_start3A_79 = arith.constant 0 : i32
        %dma_start3A_80 = tpu.memref_slice %arg8[%dma_start3A_78, %dma_start3A_79] : memref<128x128xf32, #tpu.memory_space<vmem>> -> memref<128x64xf32, #tpu.memory_space<vmem>>
        %dma_start3A_81 = arith.constant 0 : i32
        %dma_start3A_82 = tpu.memref_slice %arg4[%add3A_53, %dma_start3A_81] : memref<32768x128xf32, #tpu.memory_space<hbm>> -> memref<128x128xf32, #tpu.memory_space<hbm>>
        %dma_start3A_83 = arith.constant 0 : i32
        %dma_start3A_84 = arith.constant 0 : i32
        %dma_start3A_85 = tpu.memref_slice %dma_start3A_82[%dma_start3A_83, %dma_start3A_84] : memref<128x128xf32, #tpu.memory_space<hbm>> -> memref<128x64xf32, #tpu.memory_space<hbm>>
        %dma_start3A_86 = arith.constant 0 : i32
        %dma_start3A_87 = tpu.memref_slice %arg4[%add3A_53, %dma_start3A_86] : memref<32768x128xf32, #tpu.memory_space<hbm>> -> memref<128x128xf32, #tpu.memory_space<hbm>>
        %dma_start3A_88 = arith.constant 0 : i32
        %dma_start3A_89 = arith.constant 0 : i32
        %dma_start3A_90 = tpu.memref_slice %dma_start3A_87[%dma_start3A_88, %dma_start3A_89] : memref<128x128xf32, #tpu.memory_space<hbm>> -> memref<128x64xf32, #tpu.memory_space<hbm>>
        %dma_start3A_91 = arith.constant 0 : i32
        %dma_start3A_92 = arith.constant 0 : i32
        %dma_start3A_93 = tpu.memref_slice %arg8[%dma_start3A_91, %dma_start3A_92] : memref<128x128xf32, #tpu.memory_space<vmem>> -> memref<128x64xf32, #tpu.memory_space<vmem>>
        tpu.enqueue_dma source(%dma_start3A_93 : memref<128x64xf32, #tpu.memory_space<vmem>>) target(%dma_start3A_90 : memref<128x64xf32, #tpu.memory_space<hbm>>) target_semaphore(%run_scoped3A : memref<!tpu.dma_semaphore, #tpu.memory_space<semaphore_mem>>)
        %dma_wait3A_94 = arith.constant 0 : i32
        %dma_wait3A_95 = arith.constant 0 : i32
        %dma_wait3A_96 = tpu.memref_slice %arg8[%dma_wait3A_94, %dma_wait3A_95] : memref<128x128xf32, #tpu.memory_space<vmem>> -> memref<128x64xf32, #tpu.memory_space<vmem>>
        %dma_wait3A_97 = arith.constant 0 : i32
        %dma_wait3A_98 = tpu.memref_slice %arg4[%add3A_53, %dma_wait3A_97] : memref<32768x128xf32, #tpu.memory_space<hbm>> -> memref<128x128xf32, #tpu.memory_space<hbm>>
        %dma_wait3A_99 = arith.constant 0 : i32
        %dma_wait3A_100 = arith.constant 0 : i32
        %dma_wait3A_101 = tpu.memref_slice %dma_wait3A_98[%dma_wait3A_99, %dma_wait3A_100] : memref<128x128xf32, #tpu.memory_space<hbm>> -> memref<128x64xf32, #tpu.memory_space<hbm>>
        %dma_wait3A_102 = arith.constant 0 : i32
        %dma_wait3A_103 = tpu.memref_slice %arg4[%add3A_53, %dma_wait3A_102] : memref<32768x128xf32, #tpu.memory_space<hbm>> -> memref<128x128xf32, #tpu.memory_space<hbm>>
        %dma_wait3A_104 = arith.constant 0 : i32
        %dma_wait3A_105 = arith.constant 0 : i32
        %dma_wait3A_106 = tpu.memref_slice %dma_wait3A_103[%dma_wait3A_104, %dma_wait3A_105] : memref<128x128xf32, #tpu.memory_space<hbm>> -> memref<128x64xf32, #tpu.memory_space<hbm>>
        %dma_wait3A_107 = arith.constant 0 : i32
        %dma_wait3A_108 = arith.constant 0 : i32
        %dma_wait3A_109 = tpu.memref_slice %arg8[%dma_wait3A_107, %dma_wait3A_108] : memref<128x128xf32, #tpu.memory_space<vmem>> -> memref<128x64xf32, #tpu.memory_space<vmem>>
        tpu.wait_dma2 semaphore(%run_scoped3A : memref<!tpu.dma_semaphore, #tpu.memory_space<semaphore_mem>>) src(%dma_wait3A_109 : memref<128x64xf32, #tpu.memory_space<vmem>>) dst(%dma_wait3A_106 : memref<128x64xf32, #tpu.memory_space<hbm>>)
        tpu.yield
      }) : () -> ()
      "tpu.region"() ({
        %run_scoped3A = tpu.sem_alloc : memref<!tpu.dma_semaphore, #tpu.memory_space<semaphore_mem>>
        %dma_start3A_78 = arith.constant 0 : i32
        %dma_start3A_79 = arith.constant 0 : i32
        %dma_start3A_80 = tpu.memref_slice %arg9[%dma_start3A_78, %dma_start3A_79] : memref<128x128xf32, #tpu.memory_space<vmem>> -> memref<128x64xf32, #tpu.memory_space<vmem>>
        %dma_start3A_81 = arith.constant 0 : i32
        %dma_start3A_82 = tpu.memref_slice %arg4[%add3A_53, %dma_start3A_81] : memref<32768x128xf32, #tpu.memory_space<hbm>> -> memref<128x128xf32, #tpu.memory_space<hbm>>
        %dma_start3A_83 = arith.constant 0 : i32
        %dma_start3A_84 = arith.constant 64 : i32
        %dma_start3A_85 = tpu.memref_slice %dma_start3A_82[%dma_start3A_83, %dma_start3A_84] : memref<128x128xf32, #tpu.memory_space<hbm>> -> memref<128x64xf32, #tpu.memory_space<hbm>>
        %dma_start3A_86 = arith.constant 0 : i32
        %dma_start3A_87 = tpu.memref_slice %arg4[%add3A_53, %dma_start3A_86] : memref<32768x128xf32, #tpu.memory_space<hbm>> -> memref<128x128xf32, #tpu.memory_space<hbm>>
        %dma_start3A_88 = arith.constant 0 : i32
        %dma_start3A_89 = arith.constant 64 : i32
        %dma_start3A_90 = tpu.memref_slice %dma_start3A_87[%dma_start3A_88, %dma_start3A_89] : memref<128x128xf32, #tpu.memory_space<hbm>> -> memref<128x64xf32, #tpu.memory_space<hbm>>
        %dma_start3A_91 = arith.constant 0 : i32
        %dma_start3A_92 = arith.constant 0 : i32
        %dma_start3A_93 = tpu.memref_slice %arg9[%dma_start3A_91, %dma_start3A_92] : memref<128x128xf32, #tpu.memory_space<vmem>> -> memref<128x64xf32, #tpu.memory_space<vmem>>
        tpu.enqueue_dma source(%dma_start3A_93 : memref<128x64xf32, #tpu.memory_space<vmem>>) target(%dma_start3A_90 : memref<128x64xf32, #tpu.memory_space<hbm>>) target_semaphore(%run_scoped3A : memref<!tpu.dma_semaphore, #tpu.memory_space<semaphore_mem>>)
        %dma_wait3A_94 = arith.constant 0 : i32
        %dma_wait3A_95 = arith.constant 0 : i32
        %dma_wait3A_96 = tpu.memref_slice %arg9[%dma_wait3A_94, %dma_wait3A_95] : memref<128x128xf32, #tpu.memory_space<vmem>> -> memref<128x64xf32, #tpu.memory_space<vmem>>
        %dma_wait3A_97 = arith.constant 0 : i32
        %dma_wait3A_98 = tpu.memref_slice %arg4[%add3A_53, %dma_wait3A_97] : memref<32768x128xf32, #tpu.memory_space<hbm>> -> memref<128x128xf32, #tpu.memory_space<hbm>>
        %dma_wait3A_99 = arith.constant 0 : i32
        %dma_wait3A_100 = arith.constant 64 : i32
        %dma_wait3A_101 = tpu.memref_slice %dma_wait3A_98[%dma_wait3A_99, %dma_wait3A_100] : memref<128x128xf32, #tpu.memory_space<hbm>> -> memref<128x64xf32, #tpu.memory_space<hbm>>
        %dma_wait3A_102 = arith.constant 0 : i32
        %dma_wait3A_103 = tpu.memref_slice %arg4[%add3A_53, %dma_wait3A_102] : memref<32768x128xf32, #tpu.memory_space<hbm>> -> memref<128x128xf32, #tpu.memory_space<hbm>>
        %dma_wait3A_104 = arith.constant 0 : i32
        %dma_wait3A_105 = arith.constant 64 : i32
        %dma_wait3A_106 = tpu.memref_slice %dma_wait3A_103[%dma_wait3A_104, %dma_wait3A_105] : memref<128x128xf32, #tpu.memory_space<hbm>> -> memref<128x64xf32, #tpu.memory_space<hbm>>
        %dma_wait3A_107 = arith.constant 0 : i32
        %dma_wait3A_108 = arith.constant 0 : i32
        %dma_wait3A_109 = tpu.memref_slice %arg9[%dma_wait3A_107, %dma_wait3A_108] : memref<128x128xf32, #tpu.memory_space<vmem>> -> memref<128x64xf32, #tpu.memory_space<vmem>>
        tpu.wait_dma2 semaphore(%run_scoped3A : memref<!tpu.dma_semaphore, #tpu.memory_space<semaphore_mem>>) src(%dma_wait3A_109 : memref<128x64xf32, #tpu.memory_space<vmem>>) dst(%dma_wait3A_106 : memref<128x64xf32, #tpu.memory_space<hbm>>)
        tpu.yield
      }) : () -> ()
      %add3A_54 = arith.constant 1 : i32
      %add3A_55 = arith.addi %add3A_33, %add3A_54 : i32
      %add3A_56 = arith.constant 1 : i32
      %add3A_57 = arith.addi %add3A_55, %add3A_56 : i32
      %lt3A_58 = arith.constant 8 : i32
      %lt3A_59 = arith.cmpi slt, %add3A_57, %lt3A_58 : i32
      %convert_element_type3A_60 = arith.extui %lt3A_59 : i1 to i32
      %cond3A_61 = arith.constant 0 : i32
      %cond3A_62 = arith.cmpi ne, %convert_element_type3A_60, %cond3A_61 : i32
      scf.if %cond3A_62 {
        %add3A_78 = arith.constant 1 : i32
        %add3A_79 = arith.addi %add3A_55, %add3A_78 : i32
        %dma_start3A_80 = arith.constant 0 : i32
        %dma_start3A_81 = tpu.memref_slice %arg6[%add3A_79, %dma_start3A_80] : memref<8x128xi32, #tpu.memory_space<vmem>> -> memref<1x128xi32, #tpu.memory_space<vmem>>
        %dma_start3A_82 = tpu.memref_squeeze %dma_start3A_81 : memref<1x128xi32, #tpu.memory_space<vmem>> -> memref<128xi32, #tpu.memory_space<vmem>>
        %dma_start3A_83 = arith.constant 0 : i32
        %dma_start3A_84 = arith.constant 0 : i32
        %dma_start3A_85 = tpu.memref_slice %arg2[%dma_start3A_83, %dma_start3A_84] : memref<100280x128xf32, #tpu.memory_space<hbm>> -> memref<100280x128xf32, #tpu.memory_space<hbm>>
        tpu.enqueue_indirect_dma source(%dma_start3A_85 : memref<100280x128xf32, #tpu.memory_space<hbm>>) target(%arg8 : memref<128x128xf32, #tpu.memory_space<vmem>>) offsets(%dma_start3A_82 : memref<128xi32, #tpu.memory_space<vmem>>) semaphore(%arg12 : memref<!tpu.dma_semaphore, #tpu.memory_space<semaphore_mem>>)
        %dma_start3A_86 = arith.constant 0 : i32
        %dma_start3A_87 = tpu.memref_slice %arg7[%add3A_79, %dma_start3A_86] : memref<8x128xi32, #tpu.memory_space<vmem>> -> memref<1x128xi32, #tpu.memory_space<vmem>>
        %dma_start3A_88 = tpu.memref_squeeze %dma_start3A_87 : memref<1x128xi32, #tpu.memory_space<vmem>> -> memref<128xi32, #tpu.memory_space<vmem>>
        %dma_start3A_89 = arith.constant 0 : i32
        %dma_start3A_90 = arith.constant 0 : i32
        %dma_start3A_91 = tpu.memref_slice %arg2[%dma_start3A_89, %dma_start3A_90] : memref<100280x128xf32, #tpu.memory_space<hbm>> -> memref<100280x128xf32, #tpu.memory_space<hbm>>
        tpu.enqueue_indirect_dma source(%dma_start3A_91 : memref<100280x128xf32, #tpu.memory_space<hbm>>) target(%arg9 : memref<128x128xf32, #tpu.memory_space<vmem>>) offsets(%dma_start3A_88 : memref<128xi32, #tpu.memory_space<vmem>>) semaphore(%arg12 : memref<!tpu.dma_semaphore, #tpu.memory_space<semaphore_mem>>)
      } else {
      }
      %dma_wait3A_63 = arith.constant 0 : i32
      %dma_wait3A_64 = tpu.memref_slice %arg6[%add3A_55, %dma_wait3A_63] : memref<8x128xi32, #tpu.memory_space<vmem>> -> memref<1x128xi32, #tpu.memory_space<vmem>>
      %dma_wait3A_65 = tpu.memref_squeeze %dma_wait3A_64 : memref<1x128xi32, #tpu.memory_space<vmem>> -> memref<128xi32, #tpu.memory_space<vmem>>
      %dma_wait3A_66 = arith.constant 0 : i32
      %dma_wait3A_67 = arith.constant 0 : i32
      %dma_wait3A_68 = tpu.memref_slice %arg2[%dma_wait3A_66, %dma_wait3A_67] : memref<100280x128xf32, #tpu.memory_space<hbm>> -> memref<100280x128xf32, #tpu.memory_space<hbm>>
      tpu.wait_indirect_dma semaphore(%arg13 : memref<!tpu.dma_semaphore, #tpu.memory_space<semaphore_mem>>) src(%dma_wait3A_68 : memref<100280x128xf32, #tpu.memory_space<hbm>>) dst(%arg10 : memref<128x128xf32, #tpu.memory_space<vmem>>)
      %dma_wait3A_69 = arith.constant 0 : i32
      %dma_wait3A_70 = tpu.memref_slice %arg7[%add3A_55, %dma_wait3A_69] : memref<8x128xi32, #tpu.memory_space<vmem>> -> memref<1x128xi32, #tpu.memory_space<vmem>>
      %dma_wait3A_71 = tpu.memref_squeeze %dma_wait3A_70 : memref<1x128xi32, #tpu.memory_space<vmem>> -> memref<128xi32, #tpu.memory_space<vmem>>
      %dma_wait3A_72 = arith.constant 0 : i32
      %dma_wait3A_73 = arith.constant 0 : i32
      %dma_wait3A_74 = tpu.memref_slice %arg2[%dma_wait3A_72, %dma_wait3A_73] : memref<100280x128xf32, #tpu.memory_space<hbm>> -> memref<100280x128xf32, #tpu.memory_space<hbm>>
      tpu.wait_indirect_dma semaphore(%arg13 : memref<!tpu.dma_semaphore, #tpu.memory_space<semaphore_mem>>) src(%dma_wait3A_74 : memref<100280x128xf32, #tpu.memory_space<hbm>>) dst(%arg11 : memref<128x128xf32, #tpu.memory_space<vmem>>)
      %mul3A_75 = arith.constant 128 : i32
      %mul3A_76 = arith.muli %add3A_55, %mul3A_75 : i32
      %add3A_77 = arith.addi %mul3A_2, %mul3A_76 : i32
      "tpu.region"() ({
        %run_scoped3A = tpu.sem_alloc : memref<!tpu.dma_semaphore, #tpu.memory_space<semaphore_mem>>
        %dma_start3A_78 = arith.constant 0 : i32
        %dma_start3A_79 = arith.constant 0 : i32
        %dma_start3A_80 = tpu.memref_slice %arg10[%dma_start3A_78, %dma_start3A_79] : memref<128x128xf32, #tpu.memory_space<vmem>> -> memref<128x64xf32, #tpu.memory_space<vmem>>
        %dma_start3A_81 = arith.constant 0 : i32
        %dma_start3A_82 = tpu.memref_slice %arg4[%add3A_77, %dma_start3A_81] : memref<32768x128xf32, #tpu.memory_space<hbm>> -> memref<128x128xf32, #tpu.memory_space<hbm>>
        %dma_start3A_83 = arith.constant 0 : i32
        %dma_start3A_84 = arith.constant 0 : i32
        %dma_start3A_85 = tpu.memref_slice %dma_start3A_82[%dma_start3A_83, %dma_start3A_84] : memref<128x128xf32, #tpu.memory_space<hbm>> -> memref<128x64xf32, #tpu.memory_space<hbm>>
        %dma_start3A_86 = arith.constant 0 : i32
        %dma_start3A_87 = tpu.memref_slice %arg4[%add3A_77, %dma_start3A_86] : memref<32768x128xf32, #tpu.memory_space<hbm>> -> memref<128x128xf32, #tpu.memory_space<hbm>>
        %dma_start3A_88 = arith.constant 0 : i32
        %dma_start3A_89 = arith.constant 0 : i32
        %dma_start3A_90 = tpu.memref_slice %dma_start3A_87[%dma_start3A_88, %dma_start3A_89] : memref<128x128xf32, #tpu.memory_space<hbm>> -> memref<128x64xf32, #tpu.memory_space<hbm>>
        %dma_start3A_91 = arith.constant 0 : i32
        %dma_start3A_92 = arith.constant 0 : i32
        %dma_start3A_93 = tpu.memref_slice %arg10[%dma_start3A_91, %dma_start3A_92] : memref<128x128xf32, #tpu.memory_space<vmem>> -> memref<128x64xf32, #tpu.memory_space<vmem>>
        tpu.enqueue_dma source(%dma_start3A_93 : memref<128x64xf32, #tpu.memory_space<vmem>>) target(%dma_start3A_90 : memref<128x64xf32, #tpu.memory_space<hbm>>) target_semaphore(%run_scoped3A : memref<!tpu.dma_semaphore, #tpu.memory_space<semaphore_mem>>)
        %dma_wait3A_94 = arith.constant 0 : i32
        %dma_wait3A_95 = arith.constant 0 : i32
        %dma_wait3A_96 = tpu.memref_slice %arg10[%dma_wait3A_94, %dma_wait3A_95] : memref<128x128xf32, #tpu.memory_space<vmem>> -> memref<128x64xf32, #tpu.memory_space<vmem>>
        %dma_wait3A_97 = arith.constant 0 : i32
        %dma_wait3A_98 = tpu.memref_slice %arg4[%add3A_77, %dma_wait3A_97] : memref<32768x128xf32, #tpu.memory_space<hbm>> -> memref<128x128xf32, #tpu.memory_space<hbm>>
        %dma_wait3A_99 = arith.constant 0 : i32
        %dma_wait3A_100 = arith.constant 0 : i32
        %dma_wait3A_101 = tpu.memref_slice %dma_wait3A_98[%dma_wait3A_99, %dma_wait3A_100] : memref<128x128xf32, #tpu.memory_space<hbm>> -> memref<128x64xf32, #tpu.memory_space<hbm>>
        %dma_wait3A_102 = arith.constant 0 : i32
        %dma_wait3A_103 = tpu.memref_slice %arg4[%add3A_77, %dma_wait3A_102] : memref<32768x128xf32, #tpu.memory_space<hbm>> -> memref<128x128xf32, #tpu.memory_space<hbm>>
        %dma_wait3A_104 = arith.constant 0 : i32
        %dma_wait3A_105 = arith.constant 0 : i32
        %dma_wait3A_106 = tpu.memref_slice %dma_wait3A_103[%dma_wait3A_104, %dma_wait3A_105] : memref<128x128xf32, #tpu.memory_space<hbm>> -> memref<128x64xf32, #tpu.memory_space<hbm>>
        %dma_wait3A_107 = arith.constant 0 : i32
        %dma_wait3A_108 = arith.constant 0 : i32
        %dma_wait3A_109 = tpu.memref_slice %arg10[%dma_wait3A_107, %dma_wait3A_108] : memref<128x128xf32, #tpu.memory_space<vmem>> -> memref<128x64xf32, #tpu.memory_space<vmem>>
        tpu.wait_dma2 semaphore(%run_scoped3A : memref<!tpu.dma_semaphore, #tpu.memory_space<semaphore_mem>>) src(%dma_wait3A_109 : memref<128x64xf32, #tpu.memory_space<vmem>>) dst(%dma_wait3A_106 : memref<128x64xf32, #tpu.memory_space<hbm>>)
        tpu.yield
      }) : () -> ()
      "tpu.region"() ({
        %run_scoped3A = tpu.sem_alloc : memref<!tpu.dma_semaphore, #tpu.memory_space<semaphore_mem>>
        %dma_start3A_78 = arith.constant 0 : i32
        %dma_start3A_79 = arith.constant 0 : i32
        %dma_start3A_80 = tpu.memref_slice %arg11[%dma_start3A_78, %dma_start3A_79] : memref<128x128xf32, #tpu.memory_space<vmem>> -> memref<128x64xf32, #tpu.memory_space<vmem>>
        %dma_start3A_81 = arith.constant 0 : i32
        %dma_start3A_82 = tpu.memref_slice %arg4[%add3A_77, %dma_start3A_81] : memref<32768x128xf32, #tpu.memory_space<hbm>> -> memref<128x128xf32, #tpu.memory_space<hbm>>
        %dma_start3A_83 = arith.constant 0 : i32
        %dma_start3A_84 = arith.constant 64 : i32
        %dma_start3A_85 = tpu.memref_slice %dma_start3A_82[%dma_start3A_83, %dma_start3A_84] : memref<128x128xf32, #tpu.memory_space<hbm>> -> memref<128x64xf32, #tpu.memory_space<hbm>>
        %dma_start3A_86 = arith.constant 0 : i32
        %dma_start3A_87 = tpu.memref_slice %arg4[%add3A_77, %dma_start3A_86] : memref<32768x128xf32, #tpu.memory_space<hbm>> -> memref<128x128xf32, #tpu.memory_space<hbm>>
        %dma_start3A_88 = arith.constant 0 : i32
        %dma_start3A_89 = arith.constant 64 : i32
        %dma_start3A_90 = tpu.memref_slice %dma_start3A_87[%dma_start3A_88, %dma_start3A_89] : memref<128x128xf32, #tpu.memory_space<hbm>> -> memref<128x64xf32, #tpu.memory_space<hbm>>
        %dma_start3A_91 = arith.constant 0 : i32
        %dma_start3A_92 = arith.constant 0 : i32
        %dma_start3A_93 = tpu.memref_slice %arg11[%dma_start3A_91, %dma_start3A_92] : memref<128x128xf32, #tpu.memory_space<vmem>> -> memref<128x64xf32, #tpu.memory_space<vmem>>
        tpu.enqueue_dma source(%dma_start3A_93 : memref<128x64xf32, #tpu.memory_space<vmem>>) target(%dma_start3A_90 : memref<128x64xf32, #tpu.memory_space<hbm>>) target_semaphore(%run_scoped3A : memref<!tpu.dma_semaphore, #tpu.memory_space<semaphore_mem>>)
        %dma_wait3A_94 = arith.constant 0 : i32
        %dma_wait3A_95 = arith.constant 0 : i32
        %dma_wait3A_96 = tpu.memref_slice %arg11[%dma_wait3A_94, %dma_wait3A_95] : memref<128x128xf32, #tpu.memory_space<vmem>> -> memref<128x64xf32, #tpu.memory_space<vmem>>
        %dma_wait3A_97 = arith.constant 0 : i32
        %dma_wait3A_98 = tpu.memref_slice %arg4[%add3A_77, %dma_wait3A_97] : memref<32768x128xf32, #tpu.memory_space<hbm>> -> memref<128x128xf32, #tpu.memory_space<hbm>>
        %dma_wait3A_99 = arith.constant 0 : i32
        %dma_wait3A_100 = arith.constant 64 : i32
        %dma_wait3A_101 = tpu.memref_slice %dma_wait3A_98[%dma_wait3A_99, %dma_wait3A_100] : memref<128x128xf32, #tpu.memory_space<hbm>> -> memref<128x64xf32, #tpu.memory_space<hbm>>
        %dma_wait3A_102 = arith.constant 0 : i32
        %dma_wait3A_103 = tpu.memref_slice %arg4[%add3A_77, %dma_wait3A_102] : memref<32768x128xf32, #tpu.memory_space<hbm>> -> memref<128x128xf32, #tpu.memory_space<hbm>>
        %dma_wait3A_104 = arith.constant 0 : i32
        %dma_wait3A_105 = arith.constant 64 : i32
        %dma_wait3A_106 = tpu.memref_slice %dma_wait3A_103[%dma_wait3A_104, %dma_wait3A_105] : memref<128x128xf32, #tpu.memory_space<hbm>> -> memref<128x64xf32, #tpu.memory_space<hbm>>
        %dma_wait3A_107 = arith.constant 0 : i32
        %dma_wait3A_108 = arith.constant 0 : i32
        %dma_wait3A_109 = tpu.memref_slice %arg11[%dma_wait3A_107, %dma_wait3A_108] : memref<128x128xf32, #tpu.memory_space<vmem>> -> memref<128x64xf32, #tpu.memory_space<vmem>>
        tpu.wait_dma2 semaphore(%run_scoped3A : memref<!tpu.dma_semaphore, #tpu.memory_space<semaphore_mem>>) src(%dma_wait3A_109 : memref<128x64xf32, #tpu.memory_space<vmem>>) dst(%dma_wait3A_106 : memref<128x64xf32, #tpu.memory_space<hbm>>)
        tpu.yield
      }) : () -> ()
    }
    %scan3A_28 = arith.constant 4 : i32
    return
  }
}

module attributes {stable_mosaic.version = 14 : i64} {
  func.func @body(%arg0: i32, %arg1: memref<512x16x128xf32, #tpu.memory_space<vmem>>, %arg2: memref<16x128x128xf32, #tpu.memory_space<vmem>>, %arg3: memref<1x128xf32, #tpu.memory_space<vmem>>, %arg4: memref<128x64xf32, #tpu.memory_space<vmem>>, %arg5: memref<1x64xf32, #tpu.memory_space<vmem>>, %arg6: memref<64x32xf32, #tpu.memory_space<vmem>>, %arg7: memref<1x32xf32, #tpu.memory_space<vmem>>, %arg8: memref<512x32xf32, #tpu.memory_space<vmem>>) attributes {dimension_semantics = [#tpu.dimension_semantics<arbitrary>], iteration_bounds = array<i64: 4>, scalar_prefetch = 0 : i64, scratch_operands = 0 : i64, tpu.core_type = #tpu.core_type<tc>, window_params = [{transform_indices = @transform_0, window_bounds = array<i64: 512, 16, 128>}, {pipeline_mode = #tpu.pipeline_mode<synchronous>, transform_indices = @transform_1, window_bounds = array<i64: 16, 128, 128>}, {pipeline_mode = #tpu.pipeline_mode<synchronous>, transform_indices = @transform_2, window_bounds = array<i64: 1, 128>}, {pipeline_mode = #tpu.pipeline_mode<synchronous>, transform_indices = @transform_3, window_bounds = array<i64: 128, 64>}, {pipeline_mode = #tpu.pipeline_mode<synchronous>, transform_indices = @transform_4, window_bounds = array<i64: 1, 64>}, {pipeline_mode = #tpu.pipeline_mode<synchronous>, transform_indices = @transform_5, window_bounds = array<i64: 64, 32>}, {pipeline_mode = #tpu.pipeline_mode<synchronous>, transform_indices = @transform_6, window_bounds = array<i64: 1, 32>}, {transform_indices = @transform_7, window_bounds = array<i64: 512, 32>}]} {
    %get3A = arith.constant 0 : index
    %get3A_0 = arith.constant 0 : index
    %get3A_1 = arith.constant 0 : index
    %get3A_2 = vector.load %arg1[%get3A, %get3A_0, %get3A_1] : memref<512x16x128xf32, #tpu.memory_space<vmem>>, vector<512x1x128xf32>
    %get3A_3 = vector.shape_cast %get3A_2 : vector<512x1x128xf32> to vector<512x128xf32>
    %get3A_4 = arith.constant 0 : index
    %get3A_5 = arith.constant 0 : index
    %get3A_6 = arith.constant 0 : index
    %get3A_7 = vector.load %arg2[%get3A_4, %get3A_5, %get3A_6] : memref<16x128x128xf32, #tpu.memory_space<vmem>>, vector<1x128x128xf32>
    %get3A_8 = vector.shape_cast %get3A_7 : vector<1x128x128xf32> to vector<128x128xf32>
    %dot_general3A = arith.constant dense<0.000000e+00> : vector<512x128xf32>
    %dot_general3A_9 = tpu.matmul %get3A_3, %get3A_8, %dot_general3A {dimension_numbers = #tpu.dot_dimension_numbers<[1], [0], [0], [1], [0, 0, 1, 1], [], []>, transpose_lhs_hint = false} : vector<512x128xf32>, vector<128x128xf32>, vector<512x128xf32> -> vector<512x128xf32>
    %get3A_10 = arith.constant 0 : index
    %get3A_11 = arith.constant 1 : index
    %get3A_12 = arith.constant 0 : index
    %get3A_13 = vector.load %arg1[%get3A_10, %get3A_11, %get3A_12] : memref<512x16x128xf32, #tpu.memory_space<vmem>>, vector<512x1x128xf32>
    %get3A_14 = vector.shape_cast %get3A_13 : vector<512x1x128xf32> to vector<512x128xf32>
    %get3A_15 = arith.constant 1 : index
    %get3A_16 = arith.constant 0 : index
    %get3A_17 = arith.constant 0 : index
    %get3A_18 = vector.load %arg2[%get3A_15, %get3A_16, %get3A_17] : memref<16x128x128xf32, #tpu.memory_space<vmem>>, vector<1x128x128xf32>
    %get3A_19 = vector.shape_cast %get3A_18 : vector<1x128x128xf32> to vector<128x128xf32>
    %dot_general3A_20 = arith.constant dense<0.000000e+00> : vector<512x128xf32>
    %dot_general3A_21 = tpu.matmul %get3A_14, %get3A_19, %dot_general3A_20 {dimension_numbers = #tpu.dot_dimension_numbers<[1], [0], [0], [1], [0, 0, 1, 1], [], []>, transpose_lhs_hint = false} : vector<512x128xf32>, vector<128x128xf32>, vector<512x128xf32> -> vector<512x128xf32>
    %add3A = arith.addf %dot_general3A_9, %dot_general3A_21 : vector<512x128xf32>
    %get3A_22 = arith.constant 0 : index
    %get3A_23 = arith.constant 2 : index
    %get3A_24 = arith.constant 0 : index
    %get3A_25 = vector.load %arg1[%get3A_22, %get3A_23, %get3A_24] : memref<512x16x128xf32, #tpu.memory_space<vmem>>, vector<512x1x128xf32>
    %get3A_26 = vector.shape_cast %get3A_25 : vector<512x1x128xf32> to vector<512x128xf32>
    %get3A_27 = arith.constant 2 : index
    %get3A_28 = arith.constant 0 : index
    %get3A_29 = arith.constant 0 : index
    %get3A_30 = vector.load %arg2[%get3A_27, %get3A_28, %get3A_29] : memref<16x128x128xf32, #tpu.memory_space<vmem>>, vector<1x128x128xf32>
    %get3A_31 = vector.shape_cast %get3A_30 : vector<1x128x128xf32> to vector<128x128xf32>
    %dot_general3A_32 = arith.constant dense<0.000000e+00> : vector<512x128xf32>
    %dot_general3A_33 = tpu.matmul %get3A_26, %get3A_31, %dot_general3A_32 {dimension_numbers = #tpu.dot_dimension_numbers<[1], [0], [0], [1], [0, 0, 1, 1], [], []>, transpose_lhs_hint = false} : vector<512x128xf32>, vector<128x128xf32>, vector<512x128xf32> -> vector<512x128xf32>
    %add3A_34 = arith.addf %add3A, %dot_general3A_33 : vector<512x128xf32>
    %get3A_35 = arith.constant 0 : index
    %get3A_36 = arith.constant 3 : index
    %get3A_37 = arith.constant 0 : index
    %get3A_38 = vector.load %arg1[%get3A_35, %get3A_36, %get3A_37] : memref<512x16x128xf32, #tpu.memory_space<vmem>>, vector<512x1x128xf32>
    %get3A_39 = vector.shape_cast %get3A_38 : vector<512x1x128xf32> to vector<512x128xf32>
    %get3A_40 = arith.constant 3 : index
    %get3A_41 = arith.constant 0 : index
    %get3A_42 = arith.constant 0 : index
    %get3A_43 = vector.load %arg2[%get3A_40, %get3A_41, %get3A_42] : memref<16x128x128xf32, #tpu.memory_space<vmem>>, vector<1x128x128xf32>
    %get3A_44 = vector.shape_cast %get3A_43 : vector<1x128x128xf32> to vector<128x128xf32>
    %dot_general3A_45 = arith.constant dense<0.000000e+00> : vector<512x128xf32>
    %dot_general3A_46 = tpu.matmul %get3A_39, %get3A_44, %dot_general3A_45 {dimension_numbers = #tpu.dot_dimension_numbers<[1], [0], [0], [1], [0, 0, 1, 1], [], []>, transpose_lhs_hint = false} : vector<512x128xf32>, vector<128x128xf32>, vector<512x128xf32> -> vector<512x128xf32>
    %add3A_47 = arith.addf %add3A_34, %dot_general3A_46 : vector<512x128xf32>
    %get3A_48 = arith.constant 0 : index
    %get3A_49 = arith.constant 4 : index
    %get3A_50 = arith.constant 0 : index
    %get3A_51 = vector.load %arg1[%get3A_48, %get3A_49, %get3A_50] : memref<512x16x128xf32, #tpu.memory_space<vmem>>, vector<512x1x128xf32>
    %get3A_52 = vector.shape_cast %get3A_51 : vector<512x1x128xf32> to vector<512x128xf32>
    %get3A_53 = arith.constant 4 : index
    %get3A_54 = arith.constant 0 : index
    %get3A_55 = arith.constant 0 : index
    %get3A_56 = vector.load %arg2[%get3A_53, %get3A_54, %get3A_55] : memref<16x128x128xf32, #tpu.memory_space<vmem>>, vector<1x128x128xf32>
    %get3A_57 = vector.shape_cast %get3A_56 : vector<1x128x128xf32> to vector<128x128xf32>
    %dot_general3A_58 = arith.constant dense<0.000000e+00> : vector<512x128xf32>
    %dot_general3A_59 = tpu.matmul %get3A_52, %get3A_57, %dot_general3A_58 {dimension_numbers = #tpu.dot_dimension_numbers<[1], [0], [0], [1], [0, 0, 1, 1], [], []>, transpose_lhs_hint = false} : vector<512x128xf32>, vector<128x128xf32>, vector<512x128xf32> -> vector<512x128xf32>
    %add3A_60 = arith.addf %add3A_47, %dot_general3A_59 : vector<512x128xf32>
    %get3A_61 = arith.constant 0 : index
    %get3A_62 = arith.constant 5 : index
    %get3A_63 = arith.constant 0 : index
    %get3A_64 = vector.load %arg1[%get3A_61, %get3A_62, %get3A_63] : memref<512x16x128xf32, #tpu.memory_space<vmem>>, vector<512x1x128xf32>
    %get3A_65 = vector.shape_cast %get3A_64 : vector<512x1x128xf32> to vector<512x128xf32>
    %get3A_66 = arith.constant 5 : index
    %get3A_67 = arith.constant 0 : index
    %get3A_68 = arith.constant 0 : index
    %get3A_69 = vector.load %arg2[%get3A_66, %get3A_67, %get3A_68] : memref<16x128x128xf32, #tpu.memory_space<vmem>>, vector<1x128x128xf32>
    %get3A_70 = vector.shape_cast %get3A_69 : vector<1x128x128xf32> to vector<128x128xf32>
    %dot_general3A_71 = arith.constant dense<0.000000e+00> : vector<512x128xf32>
    %dot_general3A_72 = tpu.matmul %get3A_65, %get3A_70, %dot_general3A_71 {dimension_numbers = #tpu.dot_dimension_numbers<[1], [0], [0], [1], [0, 0, 1, 1], [], []>, transpose_lhs_hint = false} : vector<512x128xf32>, vector<128x128xf32>, vector<512x128xf32> -> vector<512x128xf32>
    %add3A_73 = arith.addf %add3A_60, %dot_general3A_72 : vector<512x128xf32>
    %get3A_74 = arith.constant 0 : index
    %get3A_75 = arith.constant 6 : index
    %get3A_76 = arith.constant 0 : index
    %get3A_77 = vector.load %arg1[%get3A_74, %get3A_75, %get3A_76] : memref<512x16x128xf32, #tpu.memory_space<vmem>>, vector<512x1x128xf32>
    %get3A_78 = vector.shape_cast %get3A_77 : vector<512x1x128xf32> to vector<512x128xf32>
    %get3A_79 = arith.constant 6 : index
    %get3A_80 = arith.constant 0 : index
    %get3A_81 = arith.constant 0 : index
    %get3A_82 = vector.load %arg2[%get3A_79, %get3A_80, %get3A_81] : memref<16x128x128xf32, #tpu.memory_space<vmem>>, vector<1x128x128xf32>
    %get3A_83 = vector.shape_cast %get3A_82 : vector<1x128x128xf32> to vector<128x128xf32>
    %dot_general3A_84 = arith.constant dense<0.000000e+00> : vector<512x128xf32>
    %dot_general3A_85 = tpu.matmul %get3A_78, %get3A_83, %dot_general3A_84 {dimension_numbers = #tpu.dot_dimension_numbers<[1], [0], [0], [1], [0, 0, 1, 1], [], []>, transpose_lhs_hint = false} : vector<512x128xf32>, vector<128x128xf32>, vector<512x128xf32> -> vector<512x128xf32>
    %add3A_86 = arith.addf %add3A_73, %dot_general3A_85 : vector<512x128xf32>
    %get3A_87 = arith.constant 0 : index
    %get3A_88 = arith.constant 7 : index
    %get3A_89 = arith.constant 0 : index
    %get3A_90 = vector.load %arg1[%get3A_87, %get3A_88, %get3A_89] : memref<512x16x128xf32, #tpu.memory_space<vmem>>, vector<512x1x128xf32>
    %get3A_91 = vector.shape_cast %get3A_90 : vector<512x1x128xf32> to vector<512x128xf32>
    %get3A_92 = arith.constant 7 : index
    %get3A_93 = arith.constant 0 : index
    %get3A_94 = arith.constant 0 : index
    %get3A_95 = vector.load %arg2[%get3A_92, %get3A_93, %get3A_94] : memref<16x128x128xf32, #tpu.memory_space<vmem>>, vector<1x128x128xf32>
    %get3A_96 = vector.shape_cast %get3A_95 : vector<1x128x128xf32> to vector<128x128xf32>
    %dot_general3A_97 = arith.constant dense<0.000000e+00> : vector<512x128xf32>
    %dot_general3A_98 = tpu.matmul %get3A_91, %get3A_96, %dot_general3A_97 {dimension_numbers = #tpu.dot_dimension_numbers<[1], [0], [0], [1], [0, 0, 1, 1], [], []>, transpose_lhs_hint = false} : vector<512x128xf32>, vector<128x128xf32>, vector<512x128xf32> -> vector<512x128xf32>
    %add3A_99 = arith.addf %add3A_86, %dot_general3A_98 : vector<512x128xf32>
    %get3A_100 = arith.constant 0 : index
    %get3A_101 = arith.constant 8 : index
    %get3A_102 = arith.constant 0 : index
    %get3A_103 = vector.load %arg1[%get3A_100, %get3A_101, %get3A_102] : memref<512x16x128xf32, #tpu.memory_space<vmem>>, vector<512x1x128xf32>
    %get3A_104 = vector.shape_cast %get3A_103 : vector<512x1x128xf32> to vector<512x128xf32>
    %get3A_105 = arith.constant 8 : index
    %get3A_106 = arith.constant 0 : index
    %get3A_107 = arith.constant 0 : index
    %get3A_108 = vector.load %arg2[%get3A_105, %get3A_106, %get3A_107] : memref<16x128x128xf32, #tpu.memory_space<vmem>>, vector<1x128x128xf32>
    %get3A_109 = vector.shape_cast %get3A_108 : vector<1x128x128xf32> to vector<128x128xf32>
    %dot_general3A_110 = arith.constant dense<0.000000e+00> : vector<512x128xf32>
    %dot_general3A_111 = tpu.matmul %get3A_104, %get3A_109, %dot_general3A_110 {dimension_numbers = #tpu.dot_dimension_numbers<[1], [0], [0], [1], [0, 0, 1, 1], [], []>, transpose_lhs_hint = false} : vector<512x128xf32>, vector<128x128xf32>, vector<512x128xf32> -> vector<512x128xf32>
    %add3A_112 = arith.addf %add3A_99, %dot_general3A_111 : vector<512x128xf32>
    %get3A_113 = arith.constant 0 : index
    %get3A_114 = arith.constant 9 : index
    %get3A_115 = arith.constant 0 : index
    %get3A_116 = vector.load %arg1[%get3A_113, %get3A_114, %get3A_115] : memref<512x16x128xf32, #tpu.memory_space<vmem>>, vector<512x1x128xf32>
    %get3A_117 = vector.shape_cast %get3A_116 : vector<512x1x128xf32> to vector<512x128xf32>
    %get3A_118 = arith.constant 9 : index
    %get3A_119 = arith.constant 0 : index
    %get3A_120 = arith.constant 0 : index
    %get3A_121 = vector.load %arg2[%get3A_118, %get3A_119, %get3A_120] : memref<16x128x128xf32, #tpu.memory_space<vmem>>, vector<1x128x128xf32>
    %get3A_122 = vector.shape_cast %get3A_121 : vector<1x128x128xf32> to vector<128x128xf32>
    %dot_general3A_123 = arith.constant dense<0.000000e+00> : vector<512x128xf32>
    %dot_general3A_124 = tpu.matmul %get3A_117, %get3A_122, %dot_general3A_123 {dimension_numbers = #tpu.dot_dimension_numbers<[1], [0], [0], [1], [0, 0, 1, 1], [], []>, transpose_lhs_hint = false} : vector<512x128xf32>, vector<128x128xf32>, vector<512x128xf32> -> vector<512x128xf32>
    %add3A_125 = arith.addf %add3A_112, %dot_general3A_124 : vector<512x128xf32>
    %get3A_126 = arith.constant 0 : index
    %get3A_127 = arith.constant 10 : index
    %get3A_128 = arith.constant 0 : index
    %get3A_129 = vector.load %arg1[%get3A_126, %get3A_127, %get3A_128] : memref<512x16x128xf32, #tpu.memory_space<vmem>>, vector<512x1x128xf32>
    %get3A_130 = vector.shape_cast %get3A_129 : vector<512x1x128xf32> to vector<512x128xf32>
    %get3A_131 = arith.constant 10 : index
    %get3A_132 = arith.constant 0 : index
    %get3A_133 = arith.constant 0 : index
    %get3A_134 = vector.load %arg2[%get3A_131, %get3A_132, %get3A_133] : memref<16x128x128xf32, #tpu.memory_space<vmem>>, vector<1x128x128xf32>
    %get3A_135 = vector.shape_cast %get3A_134 : vector<1x128x128xf32> to vector<128x128xf32>
    %dot_general3A_136 = arith.constant dense<0.000000e+00> : vector<512x128xf32>
    %dot_general3A_137 = tpu.matmul %get3A_130, %get3A_135, %dot_general3A_136 {dimension_numbers = #tpu.dot_dimension_numbers<[1], [0], [0], [1], [0, 0, 1, 1], [], []>, transpose_lhs_hint = false} : vector<512x128xf32>, vector<128x128xf32>, vector<512x128xf32> -> vector<512x128xf32>
    %add3A_138 = arith.addf %add3A_125, %dot_general3A_137 : vector<512x128xf32>
    %get3A_139 = arith.constant 0 : index
    %get3A_140 = arith.constant 11 : index
    %get3A_141 = arith.constant 0 : index
    %get3A_142 = vector.load %arg1[%get3A_139, %get3A_140, %get3A_141] : memref<512x16x128xf32, #tpu.memory_space<vmem>>, vector<512x1x128xf32>
    %get3A_143 = vector.shape_cast %get3A_142 : vector<512x1x128xf32> to vector<512x128xf32>
    %get3A_144 = arith.constant 11 : index
    %get3A_145 = arith.constant 0 : index
    %get3A_146 = arith.constant 0 : index
    %get3A_147 = vector.load %arg2[%get3A_144, %get3A_145, %get3A_146] : memref<16x128x128xf32, #tpu.memory_space<vmem>>, vector<1x128x128xf32>
    %get3A_148 = vector.shape_cast %get3A_147 : vector<1x128x128xf32> to vector<128x128xf32>
    %dot_general3A_149 = arith.constant dense<0.000000e+00> : vector<512x128xf32>
    %dot_general3A_150 = tpu.matmul %get3A_143, %get3A_148, %dot_general3A_149 {dimension_numbers = #tpu.dot_dimension_numbers<[1], [0], [0], [1], [0, 0, 1, 1], [], []>, transpose_lhs_hint = false} : vector<512x128xf32>, vector<128x128xf32>, vector<512x128xf32> -> vector<512x128xf32>
    %add3A_151 = arith.addf %add3A_138, %dot_general3A_150 : vector<512x128xf32>
    %get3A_152 = arith.constant 0 : index
    %get3A_153 = arith.constant 12 : index
    %get3A_154 = arith.constant 0 : index
    %get3A_155 = vector.load %arg1[%get3A_152, %get3A_153, %get3A_154] : memref<512x16x128xf32, #tpu.memory_space<vmem>>, vector<512x1x128xf32>
    %get3A_156 = vector.shape_cast %get3A_155 : vector<512x1x128xf32> to vector<512x128xf32>
    %get3A_157 = arith.constant 12 : index
    %get3A_158 = arith.constant 0 : index
    %get3A_159 = arith.constant 0 : index
    %get3A_160 = vector.load %arg2[%get3A_157, %get3A_158, %get3A_159] : memref<16x128x128xf32, #tpu.memory_space<vmem>>, vector<1x128x128xf32>
    %get3A_161 = vector.shape_cast %get3A_160 : vector<1x128x128xf32> to vector<128x128xf32>
    %dot_general3A_162 = arith.constant dense<0.000000e+00> : vector<512x128xf32>
    %dot_general3A_163 = tpu.matmul %get3A_156, %get3A_161, %dot_general3A_162 {dimension_numbers = #tpu.dot_dimension_numbers<[1], [0], [0], [1], [0, 0, 1, 1], [], []>, transpose_lhs_hint = false} : vector<512x128xf32>, vector<128x128xf32>, vector<512x128xf32> -> vector<512x128xf32>
    %add3A_164 = arith.addf %add3A_151, %dot_general3A_163 : vector<512x128xf32>
    %get3A_165 = arith.constant 0 : index
    %get3A_166 = arith.constant 13 : index
    %get3A_167 = arith.constant 0 : index
    %get3A_168 = vector.load %arg1[%get3A_165, %get3A_166, %get3A_167] : memref<512x16x128xf32, #tpu.memory_space<vmem>>, vector<512x1x128xf32>
    %get3A_169 = vector.shape_cast %get3A_168 : vector<512x1x128xf32> to vector<512x128xf32>
    %get3A_170 = arith.constant 13 : index
    %get3A_171 = arith.constant 0 : index
    %get3A_172 = arith.constant 0 : index
    %get3A_173 = vector.load %arg2[%get3A_170, %get3A_171, %get3A_172] : memref<16x128x128xf32, #tpu.memory_space<vmem>>, vector<1x128x128xf32>
    %get3A_174 = vector.shape_cast %get3A_173 : vector<1x128x128xf32> to vector<128x128xf32>
    %dot_general3A_175 = arith.constant dense<0.000000e+00> : vector<512x128xf32>
    %dot_general3A_176 = tpu.matmul %get3A_169, %get3A_174, %dot_general3A_175 {dimension_numbers = #tpu.dot_dimension_numbers<[1], [0], [0], [1], [0, 0, 1, 1], [], []>, transpose_lhs_hint = false} : vector<512x128xf32>, vector<128x128xf32>, vector<512x128xf32> -> vector<512x128xf32>
    %add3A_177 = arith.addf %add3A_164, %dot_general3A_176 : vector<512x128xf32>
    %get3A_178 = arith.constant 0 : index
    %get3A_179 = arith.constant 14 : index
    %get3A_180 = arith.constant 0 : index
    %get3A_181 = vector.load %arg1[%get3A_178, %get3A_179, %get3A_180] : memref<512x16x128xf32, #tpu.memory_space<vmem>>, vector<512x1x128xf32>
    %get3A_182 = vector.shape_cast %get3A_181 : vector<512x1x128xf32> to vector<512x128xf32>
    %get3A_183 = arith.constant 14 : index
    %get3A_184 = arith.constant 0 : index
    %get3A_185 = arith.constant 0 : index
    %get3A_186 = vector.load %arg2[%get3A_183, %get3A_184, %get3A_185] : memref<16x128x128xf32, #tpu.memory_space<vmem>>, vector<1x128x128xf32>
    %get3A_187 = vector.shape_cast %get3A_186 : vector<1x128x128xf32> to vector<128x128xf32>
    %dot_general3A_188 = arith.constant dense<0.000000e+00> : vector<512x128xf32>
    %dot_general3A_189 = tpu.matmul %get3A_182, %get3A_187, %dot_general3A_188 {dimension_numbers = #tpu.dot_dimension_numbers<[1], [0], [0], [1], [0, 0, 1, 1], [], []>, transpose_lhs_hint = false} : vector<512x128xf32>, vector<128x128xf32>, vector<512x128xf32> -> vector<512x128xf32>
    %add3A_190 = arith.addf %add3A_177, %dot_general3A_189 : vector<512x128xf32>
    %get3A_191 = arith.constant 0 : index
    %get3A_192 = arith.constant 15 : index
    %get3A_193 = arith.constant 0 : index
    %get3A_194 = vector.load %arg1[%get3A_191, %get3A_192, %get3A_193] : memref<512x16x128xf32, #tpu.memory_space<vmem>>, vector<512x1x128xf32>
    %get3A_195 = vector.shape_cast %get3A_194 : vector<512x1x128xf32> to vector<512x128xf32>
    %get3A_196 = arith.constant 15 : index
    %get3A_197 = arith.constant 0 : index
    %get3A_198 = arith.constant 0 : index
    %get3A_199 = vector.load %arg2[%get3A_196, %get3A_197, %get3A_198] : memref<16x128x128xf32, #tpu.memory_space<vmem>>, vector<1x128x128xf32>
    %get3A_200 = vector.shape_cast %get3A_199 : vector<1x128x128xf32> to vector<128x128xf32>
    %dot_general3A_201 = arith.constant dense<0.000000e+00> : vector<512x128xf32>
    %dot_general3A_202 = tpu.matmul %get3A_195, %get3A_200, %dot_general3A_201 {dimension_numbers = #tpu.dot_dimension_numbers<[1], [0], [0], [1], [0, 0, 1, 1], [], []>, transpose_lhs_hint = false} : vector<512x128xf32>, vector<128x128xf32>, vector<512x128xf32> -> vector<512x128xf32>
    %add3A_203 = arith.addf %add3A_190, %dot_general3A_202 : vector<512x128xf32>
    %get3A_204 = arith.constant 0 : index
    %get3A_205 = arith.constant 0 : index
    %get3A_206 = vector.load %arg3[%get3A_204, %get3A_205] : memref<1x128xf32, #tpu.memory_space<vmem>>, vector<1x128xf32>
    %add3A_207 = vector.broadcast %get3A_206 : vector<1x128xf32> to vector<512x128xf32>
    %add3A_208 = arith.addf %add3A_203, %add3A_207 : vector<512x128xf32>
    %max3A = arith.constant 0.000000e+00 : f32
    %max3A_209 = vector.broadcast %max3A : f32 to vector<512x128xf32>
    %max3A_210 = arith.maximumf %add3A_208, %max3A_209 : vector<512x128xf32>
    %get3A_211 = arith.constant 0 : index
    %get3A_212 = arith.constant 0 : index
    %get3A_213 = vector.load %arg4[%get3A_211, %get3A_212] : memref<128x64xf32, #tpu.memory_space<vmem>>, vector<128x64xf32>
    %dot_general3A_214 = arith.constant dense<0.000000e+00> : vector<512x64xf32>
    %dot_general3A_215 = tpu.matmul %max3A_210, %get3A_213, %dot_general3A_214 {dimension_numbers = #tpu.dot_dimension_numbers<[1], [0], [0], [1], [0, 0, 1, 1], [], []>, transpose_lhs_hint = false} : vector<512x128xf32>, vector<128x64xf32>, vector<512x64xf32> -> vector<512x64xf32>
    %get3A_216 = arith.constant 0 : index
    %get3A_217 = arith.constant 0 : index
    %get3A_218 = vector.load %arg5[%get3A_216, %get3A_217] : memref<1x64xf32, #tpu.memory_space<vmem>>, vector<1x64xf32>
    %add3A_219 = vector.broadcast %get3A_218 : vector<1x64xf32> to vector<512x64xf32>
    %add3A_220 = arith.addf %dot_general3A_215, %add3A_219 : vector<512x64xf32>
    %max3A_221 = arith.constant 0.000000e+00 : f32
    %max3A_222 = vector.broadcast %max3A_221 : f32 to vector<512x64xf32>
    %max3A_223 = arith.maximumf %add3A_220, %max3A_222 : vector<512x64xf32>
    %get3A_224 = arith.constant 0 : index
    %get3A_225 = arith.constant 0 : index
    %get3A_226 = vector.load %arg6[%get3A_224, %get3A_225] : memref<64x32xf32, #tpu.memory_space<vmem>>, vector<64x32xf32>
    %dot_general3A_227 = arith.constant dense<0.000000e+00> : vector<512x32xf32>
    %dot_general3A_228 = tpu.matmul %max3A_223, %get3A_226, %dot_general3A_227 {dimension_numbers = #tpu.dot_dimension_numbers<[1], [0], [0], [1], [0, 0, 1, 1], [], []>, transpose_lhs_hint = false} : vector<512x64xf32>, vector<64x32xf32>, vector<512x32xf32> -> vector<512x32xf32>
    %get3A_229 = arith.constant 0 : index
    %get3A_230 = arith.constant 0 : index
    %get3A_231 = vector.load %arg7[%get3A_229, %get3A_230] : memref<1x32xf32, #tpu.memory_space<vmem>>, vector<1x32xf32>
    %add3A_232 = vector.broadcast %get3A_231 : vector<1x32xf32> to vector<512x32xf32>
    %add3A_233 = arith.addf %dot_general3A_228, %add3A_232 : vector<512x32xf32>
    %swap3A = arith.constant 0 : index
    %swap3A_234 = arith.constant 0 : index
    %swap3A_235 = vector.load %arg8[%swap3A, %swap3A_234] : memref<512x32xf32, #tpu.memory_space<vmem>>, vector<512x32xf32>
    tpu.vector_store %arg8[%swap3A, %swap3A_234], %add3A_233 {strides = array<i32>} : memref<512x32xf32, #tpu.memory_space<vmem>>, vector<512x32xf32>,
    return
  }
  func.func @transform_0(%arg0: i32) -> (i32, i32, i32) {
    %c0_i32 = arith.constant 0 : i32
    %c0_i32_0 = arith.constant 0 : i32
    %c0_i32_1 = arith.constant 0 : i32
    return %arg0, %c0_i32, %c0_i32_0 : i32, i32, i32
  }
  func.func @transform_1(%arg0: i32) -> (i32, i32, i32) {
    %c0_i32 = arith.constant 0 : i32
    %c0_i32_0 = arith.constant 0 : i32
    %c0_i32_1 = arith.constant 0 : i32
    %c0_i32_2 = arith.constant 0 : i32
    return %c0_i32, %c0_i32_0, %c0_i32_1 : i32, i32, i32
  }
  func.func @transform_2(%arg0: i32) -> (i32, i32) {
    %c0_i32 = arith.constant 0 : i32
    %c0_i32_0 = arith.constant 0 : i32
    %c0_i32_1 = arith.constant 0 : i32
    return %c0_i32, %c0_i32_0 : i32, i32
  }
  func.func @transform_3(%arg0: i32) -> (i32, i32) {
    %c0_i32 = arith.constant 0 : i32
    %c0_i32_0 = arith.constant 0 : i32
    %c0_i32_1 = arith.constant 0 : i32
    return %c0_i32, %c0_i32_0 : i32, i32
  }
  func.func @transform_4(%arg0: i32) -> (i32, i32) {
    %c0_i32 = arith.constant 0 : i32
    %c0_i32_0 = arith.constant 0 : i32
    %c0_i32_1 = arith.constant 0 : i32
    return %c0_i32, %c0_i32_0 : i32, i32
  }
  func.func @transform_5(%arg0: i32) -> (i32, i32) {
    %c0_i32 = arith.constant 0 : i32
    %c0_i32_0 = arith.constant 0 : i32
    %c0_i32_1 = arith.constant 0 : i32
    return %c0_i32, %c0_i32_0 : i32, i32
  }
  func.func @transform_6(%arg0: i32) -> (i32, i32) {
    %c0_i32 = arith.constant 0 : i32
    %c0_i32_0 = arith.constant 0 : i32
    %c0_i32_1 = arith.constant 0 : i32
    return %c0_i32, %c0_i32_0 : i32, i32
  }
  func.func @transform_7(%arg0: i32) -> (i32, i32) {
    %c0_i32 = arith.constant 0 : i32
    %c0_i32_0 = arith.constant 0 : i32
    return %arg0, %c0_i32 : i32, i32
  }
}

</mosaic_0001>

<sc_bundles>
// kernel: kernel.6.cloned.1.call-start
scs
__scs_entry_jumppad:
0x0: {  	(pc) =	sbr.rel $0x88, $3  }
0x1: {  	(tag) =	ssettag $0x0;
	lr =	simm.s32 $0x1  }
0x2: {  	[smem:$0x3F99] =	sst lr;
	_ =	strace $0xD0000000  }
0x3: {  	_ = 	snop  }
0x4: {  	_ = 	snop  }
0x5: {  	_ = 	snop  }
0x6: {  	_ = 	snop  }
0x7: {  	_ = 	snop  }
__scs_overlays_trampoline_lowered:
0x8: {  	[smem:$0x3FA8] =	sst s0  }
0x9: {  	[smem:$0x3FA9] =	sst s1  }
0xa: {  	[smem:$0x3FAA] =	sst s2  }
0xb: {  	[smem:$0x3FAB] =	sst s3  }
0xc: {  	[smem:$0x3FAC] =	sst s4  }
0xd: {  	[smem:$0x3FAD] =	sst s5  }
0xe: {  	[smem:$0x3FAE] =	sst s6  }
0xf: {  	[smem:$0x3FAF] =	sst s7  }
0x10: {  	[smem:$0x3FB0] =	sst s8  }
0x11: {  	[smem:$0x3FB1] =	sst s9;
	s0 =	simm.s32 @!p0 $0x0  }
0x12: {  	s1 =	sld [smem:$0x3F97];
	s0 =	simm.s32 @p0 $0x1  }
0x13: {  	[smem:$0x3FB2] =	sst s0;
	s0 =	simm.s32 @!p1 $0x0  }
0x14: {  	s2 =	sld [smem:$0x3F96];
	s0 =	simm.s32 @p1 $0x1  }
0x15: {  	[smem:$0x3FB3] =	sst s0;
	s0 =	simm.s32 @!p2 $0x0  }
0x16: {  	s3 =	sld [smem:$0x3FDB];
	s0 =	simm.s32 @p2 $0x1  }
0x17: {  	s4 =	simm.s32 $0x1BF5;
	[smem:$0x3FB5] =	sst s0  }
0x18: {  	s0 =	sld [smem:$0x3F98];
	_ =	swait.ge [sflag:s4], $0x0  }
0x19: {  	s7 =	sld [smem:$0x3F99]  }
0x1a: {  	s8 =	sadd.s32 $0xFFFFE003, lr  }
0x1b: {  	s9 =	sadd.s32 $0xFFFFFEF7, lr;
	s5 =	simm.s32 $0xFFFFFFFF;
	p2 =	slt.u32 s8, $0xFFFFF086  }
0x1c: {  	p1 =	slt.u32 s9, $0xF7A;
	s5 =	simm.s32 @!p2 $0x0  }
0x1d: {  	s5 =	simm.s32 @p1 $0x1;
	p0 =	seq.s32 s7, s2  }
0x1e: {  	s7 =	smul.u32 @!p0 $0xF7A, s2;
	p2 =	seq.s32 @!p0 s5, $0x0  }
0x1f: {  	s9 =	smul.u32 $0xF7A, s1;
	s8 =	simm.s32 @!p0 $0x1BF5;
	p2 =	por !p2, p0  }
0x20: {  	[sflag:s8] =	ssyncset.s32 @!p0 $0xFFFFF086;
	s6 =	sadd.s32 @!p0 s3, s7;
	s7 =	simm.s32 @!p0 $0x108  }
0x21: {  	s3 =	sadd.s32 s3, s9;
	s6 =	sadd.s32 @!p0 $0x88, s6;
	s7 =	simm.s32 @p2 $0x1082  }
0x22: {  	[simem:s7], [sflag:s8] =	dma.local @!p0 [hbm:s6], $0xF7A  }
0x23: {  	s9 =	sor.u32 $0xD0000000, s2;
	s6 =	simm.s32 $0x108;
	_ =	swait.ge @!p0 [sflag:s8], $0x0  }
0x24: {  	s3 =	sadd.s32 $0x88, s3;
	s6 =	simm.s32 @!p1 $0x1082;
	[sflag:s4] =	ssyncset.s32 $0xFFFFF086  }
0x25: {  	[simem:s6], [sflag:s4] =	dma.local [hbm:s3], $0xF7A  }
0x26: {  	[smem:$0x3F99] =	sst s1;
	(tag) =	ssettag s2;
	_ =	strace s9  }
0x27: {  	s1 =	sld [smem:$0x3FA9]  }
0x28: {  	s2 =	sld [smem:$0x3FAA]  }
0x29: {  	s4 =	sld [smem:$0x3FAC]  }
0x2a: {  	p0 =	seq.s32 s5, $0x0;
	s5 =	sld [smem:$0x3FAD]  }
0x2b: {  	s6 =	sld [smem:$0x3FAE]  }
0x2c: {  	s7 =	sld [smem:$0x3FAF]  }
0x2d: {  	s3 =	simm.s32 $0x108;
	s8 =	sld [smem:$0x3FB0]  }
0x2e: {  	s3 =	simm.s32 @!p0 $0x1082;
	s9 =	sld [smem:$0x3FB1]  }
0x2f: {  	lr =	sadd.s32 s0, s3;
	s0 =	sld [smem:$0x3FA8]  }
0x30: {  	s3 =	sld [smem:$0x3FAB]  }
0x31: {  	[smem:$0x3FB4] =	sst s10  }
0x32: {  	s10 =	sld [smem:$0x3FB2];
	_ =	sdelay $0x3  }
0x33: {  	p0 =	seq.s32 s10, $0x1;
	s10 =	sld [smem:$0x3FB4];
	_ =	sdelay $0x3  }
0x34: {  	[smem:$0x3FB4] =	sst s10  }
0x35: {  	s10 =	sld [smem:$0x3FB3];
	_ =	sdelay $0x3  }
0x36: {  	p1 =	seq.s32 s10, $0x1;
	s10 =	sld [smem:$0x3FB4];
	_ =	sdelay $0x3  }
0x37: {  	[smem:$0x3FB4] =	sst s10  }
0x38: {  	s10 =	sld [smem:$0x3FB5]  }
0x39: {  	_ = 	snop;
	(pc) =	sbr.ind lr, $3  }
0x3a: {  	_ = 	snop  }
0x3b: {  	_ = 	snop  }
0x3c: {  	p2 =	seq.s32 s10, $0x1;
	s10 =	sld [smem:$0x3FB4]  }
0x3d: {  	_ =	shalt  }
0x3e: {  	_ =	shalt  }
0x3f: {  	_ =	shalt  }
0x40: {  	_ =	shalt  }
0x41: {  	_ =	shalt  }
0x42: {  	_ =	shalt  }
0x43: {  	_ =	shalt  }
0x44: {  	_ =	shalt  }
0x45: {  	_ =	shalt  }
0x46: {  	_ =	shalt  }
0x47: {  	_ =	shalt  }
0x48: {  	_ =	shalt  }
0x49: {  	_ =	shalt  }
0x4a: {  	_ =	shalt  }
0x4b: {  	_ =	shalt  }
0x4c: {  	_ =	shalt  }
0x4d: {  	_ =	shalt  }
0x4e: {  	_ =	shalt  }
0x4f: {  	_ =	shalt  }
0x50: {  	_ =	shalt  }
0x51: {  	_ =	shalt  }
0x52: {  	_ =	shalt  }
0x53: {  	_ =	shalt  }
0x54: {  	_ =	shalt  }
0x55: {  	_ =	shalt  }
0x56: {  	_ =	shalt  }
0x57: {  	_ =	shalt  }
0x58: {  	_ =	shalt  }
0x59: {  	_ =	shalt  }
0x5a: {  	_ =	shalt  }
0x5b: {  	_ =	shalt  }
0x5c: {  	_ =	shalt  }
0x5d: {  	_ =	shalt  }
0x5e: {  	_ =	shalt  }
0x5f: {  	_ =	shalt  }
0x60: {  	_ =	shalt  }
0x61: {  	_ =	shalt  }
0x62: {  	_ =	shalt  }
0x63: {  	_ =	shalt  }
0x64: {  	_ =	shalt  }
0x65: {  	_ =	shalt  }
0x66: {  	_ =	shalt  }
0x67: {  	_ =	shalt  }
0x68: {  	_ =	shalt  }
0x69: {  	_ =	shalt  }
0x6a: {  	_ =	shalt  }
0x6b: {  	_ =	shalt  }
0x6c: {  	_ =	shalt  }
0x6d: {  	_ =	shalt  }
0x6e: {  	_ =	shalt  }
0x6f: {  	_ =	shalt  }
0x70: {  	_ =	shalt  }
0x71: {  	_ =	shalt  }
0x72: {  	_ =	shalt  }
0x73: {  	_ =	shalt  }
0x74: {  	_ =	shalt  }
0x75: {  	_ =	shalt  }
0x76: {  	_ =	shalt  }
0x77: {  	_ =	shalt  }
0x78: {  	_ =	shalt  }
0x79: {  	_ =	shalt  }
0x7a: {  	_ =	shalt  }
0x7b: {  	_ =	shalt  }
0x7c: {  	_ =	shalt  }
0x7d: {  	_ =	shalt  }
0x7e: {  	_ =	shalt  }
0x7f: {  	_ =	shalt  }
0x80: {  	_ =	shalt  }
0x81: {  	_ =	shalt  }
0x82: {  	_ =	shalt  }
0x83: {  	_ =	shalt  }
0x84: {  	_ =	shalt  }
0x85: {  	_ =	shalt  }
0x86: {  	_ =	shalt  }
0x87: {  	_ =	shalt  }
.Lfunc_end0:
.L_simem_size_0:
called_computation_lowered:
.L_overlay_start_0:
0x88: {  	s2 =	sld [smem:$0x3FD9]  }
0x89: {  	s3 =	sld [smem:$0x3FFE];
	_ =	sdelay $0x1  }
0x8a: {  	s1 =	srdreg.scid  }
0x8b: {  	s0 =	sand.u32 $0x1, s1  }
0x8c: {  	s17 =	sshll.u32 s0, $0xA;
	s2 =	sadd.s32 s3, s2  }
0x8d: {  	s2 =	sadd.s32 s2, s17  }
0x8e: {  	[smem:$0x3FC0] =	sst s2  }
0x8f: {  	_ = 	snop  }
0x90: {  	(tm) =	ssettm $0x1  }
0x91: {  	s18 =	sld [smem:$0x3FFB];
	_ =	sdelay $0x3  }
0x92: {  	_ =	strace s18  }
0x93: {  	s2 =	sld [smem:$0x3FFC];
	_ =	sdelay $0x3  }
0x94: {  	_ =	strace s2  }
0x95: {  	s2 =	sld [smem:$0x3FFD];
	_ =	sdelay $0x3  }
0x96: {  	_ =	strace s2  }
0x97: {  	_ =	strace $0x8FFFFFFF  }
0x98: {  	s19 =	sld [smem:$0x3FDB];
	_ =	sdelay $0x1  }
0x99: {  	s20 =	simm.s32 $_scs_section_size  }
0x9a: {  	s4 =	simm.s32 $_size__tile_overlayer_lowered;
	s5 =	simm.s32 $_tile_overlayer_lowered  }
0x9b: {  	s6 =	simm.s32 $0x1BFF;
	s21 =	sshll.u32 s5, $0x1;
	s3 =	sadd.s32 s20, s19  }
0x9c: {  	s22 =	simm.s32 $0x0;
	s4 =	sshll.u32 s4, $0x1;
	s5 =	sadd.s32 s21, s3  }
0x9d: {  	[timem:s22], [sflag:s6] =	dma.local [hbm:s5], s4  }
0x9e: {  	_ =	swait.ge [sflag:s6], s4  }
0x9f: {  	s4 =	ssub.s32 $0x0, s4;
	[sflag:s6] =	ssyncset.done $0x0  }
0xa0: {  	[sflag:s6] =	ssyncadd.s32 s4;
	_ =	sdelay $0x1  }
0xa1: {  	s23 =	simm.s32 $0x1B8B  }
0xa2: {  	_ =	swait.ge [sflag:s23], $0x1  }
0xa3: {  	[sflag:s23] =	ssyncset.done $0x0  }
0xa4: {  	[sflag:s23] =	ssyncadd.s32 $0xFFFFFFFF  }
0xa5: {  	s4 =	sld [smem:$0x0]  }
0xa6: {  	s5 =	sand.u32 $0xFFFFFFFE, s1  }
0xa7: {  	p0 =	sne.s32 s1, s5  }
0xa8: {  	s5 =	sshll.u32 @p0 s5, $0xE  }
0xa9: {  	s5 =	sadd.s32 @p0 $0x11B8D, s5;
	s6 =	sshll.u32 @p0 s4, $0x11  }
0xaa: {  	s5 =	sor.u32 @p0 s6, s5  }
0xab: {  	[sflag:s5] =	ssyncadd.remote.s32 @p0 $0x1;
	_ =	sdelay $0x1  }
0xac: {  	s5 =	simm.s32 @p0 $0x1B8D  }
0xad: {  	_ =	swait.eq @p0 [sflag:s5], $0x1  }
0xae: {  	[sflag:s5] =	ssyncadd.s32 @p0 $0xFFFFFFFF  }
0xaf: {  	s6 =	sshll.u32 @!p0 s1, $0xE  }
0xb0: {  	s6 =	sor.u32 @!p0 $0x4000, s6;
	s5 =	simm.s32 @!p0 $0x1B8D  }
0xb1: {  	s4 =	sshll.u32 @!p0 s4, $0x11;
	s6 =	sadd.s32 @!p0 $0x11B8D, s6;
	_ =	swait.eq @!p0 [sflag:s5], $0x1  }
0xb2: {  	s4 =	sor.u32 @!p0 s4, s6;
	[sflag:s5] =	ssyncadd.s32 @!p0 $0xFFFFFFFF  }
0xb3: {  	s25 =	simm.s32 $0x1B8E;
	s24 =	sld [smem:$0x3FFE];
	[sflag:s4] =	ssyncadd.remote.s32 @!p0 $0x1  }
0xb4: {  	s26 =	simm.s32 $execute0_lowered;
	[smem:$0x3FD2] =	sst s25  }
0xb5: {  	s5 =	sshll.u32 s26, $0x1;
	_ =	strace $0x80000049;
	[dreg:$0x1] =	wrdreg $0xFFFFFFFF  }
0xb6: {  	s28 =	simm.s32 $_size_execute0_lowered;
	s3 =	sadd.s32 s3, s5;
	[dreg:$0x0] =	wrdreg $0x0  }
0xb7: {  	s5 =	sshll.u32 s28, $0x1;
	[dreg:$0x2] =	wrdreg s3  }
0xb8: {  	[dreg:$0x3] =	wrdreg s5  }
0xb9: {  	[dreg:$0x4] =	wrdreg $0xC0  }
0xba: {  	_ =	task [dreg:s22], $0x5FFFF  }
0xbb: {  	[dreg:$0x1] =	wrdreg $0xFFFFFFFF  }
0xbc: {  	[dreg:$0x0] =	wrdreg $0x60  }
0xbd: {  	[dreg:$0x2] =	wrdreg s24  }
0xbe: {  	[dreg:$0x3] =	wrdreg $0x9  }
0xbf: {  	_ =	task.clear_ibuf [dreg:s22], $0x4FFFF;
	_ =	strace $0x90000049  }
0xc0: {  	s29 =	simm.s32 $0x9;
	_ =	strace $0x8000004B  }
0xc1: {  	_ =	swait.ge [sflag:s29], $0x1  }
0xc2: {  	[sflag:s29] =	ssyncadd.s32 $0xFFFFFFFF  }
0xc3: {  	_ =	strace $0x9000004B  }
0xc4: {  	_ =	sfence  }
0xc5: {  	s30 =	sld [smem:$0x0];
	_ =	sdelay $0x2  }
0xc6: {  	s31 =	sshll.u32 s1, $0xD;
	s1 =	sshrl.u32 s1, $0x2  }
0xc7: {  	s4 =	sand.u32 $0x4000, s31;
	s1 =	sadd.s32 s1, s30  }
0xc8: {  	s0 =	sor.u32 s4, s0;
	s1 =	sshll.u32 s1, $0x11  }
0xc9: {  	s0 =	sor.u32 s1, s0  }
0xca: {  	s0 =	sadd.s32 $0x8F2B, s0  }
0xcb: {  	[sflag:s0] =	ssyncadd.remote.s32 $0x1  }
0xcc: {  	_ =	sfence.sel $0xFFFF  }
0xcd: {  	[dreg:$0x0] =	wrdreg $0xFFFFFFFF;
	(pc) =	sbr.abs _section_cstart, $3  }
0xce: {  	[dreg:$0x1] =	wrdreg $0xFFFFFFFF  }
0xcf: {  	_ =	task.clear_ibuf [dreg:s22], $0x2FFFF;
	_ =	strace $0x9FFFFFFF  }
0xd0: {  	(tm) =	ssettm $0x7FFFFFFF  }
0xd1: {  	_ =	shalt  }
tec
execute0_lowered:
.L_overlay_start_1:
0x0: {  	(tag) =	ssettag $0x1  }
0x1: {  	s4 =	rddreg [dreg:$0x0]  }
0x2: {  	s0 =	rddreg [dreg:$0x1]  }
0x3: {  	s2 =	simm.s32 $0x0;
	s3 =	srdreg.scid;
	s1 =	stileid.u32  }
0x4: {  	s9 =	simm.s32 $0x800;
	s10 =	simm.s32 $0x1000;
	s11 =	simm.s32 $0xC00  }
0x5: {  	s12 =	simm.s32 $0x5000;
	s13 =	simm.s32 $0x9000;
	s14 =	simm.s32 $0xD000  }
0x6: {  	s15 =	simm.s32 $0x1;
	s16 =	simm.s32 $0x2;
	s17 =	simm.s32 $0x0  }
0x7: {  	[smem:$0x7FF] =	sst s2;
	s5 =	sand.u32 $0x1, s3;
	s6 =	sshll.u32 s1, $0x1  }
0x8: {  	s3 =	sadd.s32 $0x189600, s4;
	_ =	strace $0x8000004A;
	s6 =	sor.u32 s5, s6  }
0x9: {  	s5 =	ssub.s32 $0x2, s5;
	s7 =	sshll.u32 s6, $0x8;
	s6 =	sshll.u32 s6, $0xE  }
0xa: {  	s31 =	sshrl.u32 s5, $0x1;
	s7 =	sadd.s32 s7, s4;
	s6 =	sadd.s32 s6, s4  }
0xb: {  	s8 =	ssub.s32 s5, s31;
	s4 =	sadd.s32 $0x81A00, s7;
	s5 =	sadd.s32 $0x83A00, s6  }
0xc: {  	s6 =	smax.u32 s8, $0x1;
	s7 =	simm.s32 $0x3;
	s8 =	simm.s32 $0x80  }
.LBB2_1:
0xd: {  	[tilespmem:s2], [sflag:$0x3] =	stream.linear.gather [hbm4b:s4+s2], $0x800, $0x38;
	[tilespmem:$0x11000] =	vst v63  }
0xe: {  	_ =	swait.ge [sflag:s7], $0x800  }
0xf: {  	[sflag:s7] =	ssyncset.done $0x0  }
0x10: {  	[sflag:s7] =	ssyncadd.s32 $0xFFFFF800  }
0x11: {  	v0 =	vld [tilespmem:$0x0]  }
0x12: {  	v1 =	vld [tilespmem:$0x10]  }
0x13: {  	v2 =	vld [tilespmem:$0x20]  }
0x14: {  	v3 =	vld [tilespmem:$0x30]  }
0x15: {  	v4 =	vld [tilespmem:$0x40]  }
0x16: {  	v53 =	vld [tilespmem:$0x50];
	[tilespmem:$0x800] =	vst v0  }
0x17: {  	v54 =	vld [tilespmem:$0x60];
	[tilespmem:$0xC00] =	vst v1  }
0x18: {  	v55 =	vld [tilespmem:$0x70];
	[tilespmem:$0x810] =	vst v2  }
0x19: {  	v56 =	vld [tilespmem:$0x80];
	[tilespmem:$0xC10] =	vst v3  }
0x1a: {  	v57 =	vld [tilespmem:$0x90];
	[tilespmem:$0x820] =	vst v4  }
0x1b: {  	v58 =	vld [tilespmem:$0xA0];
	[tilespmem:$0xC20] =	vst v53  }
0x1c: {  	v59 =	vld [tilespmem:$0xB0];
	[tilespmem:$0x830] =	vst v54  }
0x1d: {  	v60 =	vld [tilespmem:$0xC0];
	[tilespmem:$0xC30] =	vst v55  }
0x1e: {  	v61 =	vld [tilespmem:$0xD0];
	[tilespmem:$0x840] =	vst v56  }
0x1f: {  	v62 =	vld [tilespmem:$0xE0];
	[tilespmem:$0xC40] =	vst v57  }
0x20: {  	v63 =	vld [tilespmem:$0xF0];
	[tilespmem:$0x850] =	vst v58  }
0x21: {  	v8 =	vld [tilespmem:$0x100];
	[tilespmem:$0xC50] =	vst v59  }
0x22: {  	v9 =	vld [tilespmem:$0x110];
	[tilespmem:$0x860] =	vst v60  }
0x23: {  	v10 =	vld [tilespmem:$0x120];
	[tilespmem:$0xC60] =	vst v61  }
0x24: {  	v11 =	vld [tilespmem:$0x130];
	[tilespmem:$0x870] =	vst v62  }
0x25: {  	v12 =	vld [tilespmem:$0x140];
	[tilespmem:$0xC70] =	vst v63  }
0x26: {  	v13 =	vld [tilespmem:$0x150];
	[tilespmem:$0x880] =	vst v8  }
0x27: {  	v14 =	vld [tilespmem:$0x160];
	[tilespmem:$0xC80] =	vst v9  }
0x28: {  	v15 =	vld [tilespmem:$0x170];
	[tilespmem:$0x890] =	vst v10  }
0x29: {  	v16 =	vld [tilespmem:$0x180];
	[tilespmem:$0xC90] =	vst v11  }
0x2a: {  	v17 =	vld [tilespmem:$0x190];
	[tilespmem:$0x8A0] =	vst v12  }
0x2b: {  	v18 =	vld [tilespmem:$0x1A0];
	[tilespmem:$0xCA0] =	vst v13  }
0x2c: {  	v19 =	vld [tilespmem:$0x1B0];
	[tilespmem:$0x8B0] =	vst v14  }
0x2d: {  	v20 =	vld [tilespmem:$0x1C0];
	[tilespmem:$0xCB0] =	vst v15  }
0x2e: {  	v21 =	vld [tilespmem:$0x1D0];
	[tilespmem:$0x8C0] =	vst v16  }
0x2f: {  	v22 =	vld [tilespmem:$0x1E0];
	[tilespmem:$0xCC0] =	vst v17  }
0x30: {  	v23 =	vld [tilespmem:$0x1F0];
	[tilespmem:$0x8D0] =	vst v18  }
0x31: {  	v24 =	vld [tilespmem:$0x200];
	[tilespmem:$0xCD0] =	vst v19  }
0x32: {  	v25 =	vld [tilespmem:$0x210];
	[tilespmem:$0x8E0] =	vst v20  }
0x33: {  	v26 =	vld [tilespmem:$0x220];
	[tilespmem:$0xCE0] =	vst v21  }
0x34: {  	v27 =	vld [tilespmem:$0x230];
	[tilespmem:$0x8F0] =	vst v22  }
0x35: {  	v28 =	vld [tilespmem:$0x240];
	[tilespmem:$0xCF0] =	vst v23  }
0x36: {  	v29 =	vld [tilespmem:$0x250];
	[tilespmem:$0x900] =	vst v24  }
0x37: {  	v30 =	vld [tilespmem:$0x260];
	[tilespmem:$0xD00] =	vst v25  }
0x38: {  	v31 =	vld [tilespmem:$0x270];
	[tilespmem:$0x910] =	vst v26  }
0x39: {  	v32 =	vld [tilespmem:$0x280];
	[tilespmem:$0xD10] =	vst v27  }
0x3a: {  	v33 =	vld [tilespmem:$0x290];
	[tilespmem:$0x920] =	vst v28  }
0x3b: {  	v34 =	vld [tilespmem:$0x2A0];
	[tilespmem:$0xD20] =	vst v29  }
0x3c: {  	v35 =	vld [tilespmem:$0x2B0];
	[tilespmem:$0x930] =	vst v30  }
0x3d: {  	v36 =	vld [tilespmem:$0x2C0];
	[tilespmem:$0xD30] =	vst v31  }
0x3e: {  	v37 =	vld [tilespmem:$0x2D0];
	[tilespmem:$0x940] =	vst v32  }
0x3f: {  	v38 =	vld [tilespmem:$0x2E0];
	[tilespmem:$0xD40] =	vst v33  }
0x40: {  	v39 =	vld [tilespmem:$0x2F0];
	[tilespmem:$0x950] =	vst v34  }
0x41: {  	v40 =	vld [tilespmem:$0x300];
	[tilespmem:$0xD50] =	vst v35  }
0x42: {  	v41 =	vld [tilespmem:$0x310];
	[tilespmem:$0x960] =	vst v36  }
0x43: {  	v42 =	vld [tilespmem:$0x320];
	[tilespmem:$0xD60] =	vst v37  }
0x44: {  	v43 =	vld [tilespmem:$0x330];
	[tilespmem:$0x970] =	vst v38  }
0x45: {  	v44 =	vld [tilespmem:$0x340];
	[tilespmem:$0xD70] =	vst v39  }
0x46: {  	v45 =	vld [tilespmem:$0x350];
	[tilespmem:$0x980] =	vst v40  }
0x47: {  	v46 =	vld [tilespmem:$0x360];
	[tilespmem:$0xD80] =	vst v41  }
0x48: {  	v47 =	vld [tilespmem:$0x370];
	[tilespmem:$0x990] =	vst v42  }
0x49: {  	v48 =	vld [tilespmem:$0x380];
	[tilespmem:$0xD90] =	vst v43  }
0x4a: {  	v49 =	vld [tilespmem:$0x390];
	[tilespmem:$0x9A0] =	vst v44  }
0x4b: {  	v50 =	vld [tilespmem:$0x3A0];
	[tilespmem:$0xDA0] =	vst v45  }
0x4c: {  	v51 =	vld [tilespmem:$0x3B0];
	[tilespmem:$0x9B0] =	vst v46  }
0x4d: {  	v52 =	vld [tilespmem:$0x3C0];
	[tilespmem:$0xDB0] =	vst v47  }
0x4e: {  	[tilespmem:$0x9C0] =	vst v48;
	v53 =	vld [tilespmem:$0x3D0]  }
0x4f: {  	[tilespmem:$0xDC0] =	vst v49;
	v54 =	vld [tilespmem:$0x3E0]  }
0x50: {  	[tilespmem:$0x9D0] =	vst v50;
	v55 =	vld [tilespmem:$0x3F0]  }
0x51: {  	[tilespmem:$0xDD0] =	vst v51;
	v56 =	vld [tilespmem:$0x400]  }
0x52: {  	[tilespmem:$0x9E0] =	vst v52;
	v57 =	vld [tilespmem:$0x410]  }
0x53: {  	v58 =	vld [tilespmem:$0x420];
	[tilespmem:$0xDE0] =	vst v53  }
0x54: {  	v59 =	vld [tilespmem:$0x430];
	[tilespmem:$0x9F0] =	vst v54  }
0x55: {  	v60 =	vld [tilespmem:$0x440];
	[tilespmem:$0xDF0] =	vst v55  }
0x56: {  	v61 =	vld [tilespmem:$0x450];
	[tilespmem:$0xA00] =	vst v56  }
0x57: {  	v62 =	vld [tilespmem:$0x460];
	[tilespmem:$0xE00] =	vst v57  }
0x58: {  	v63 =	vld [tilespmem:$0x470];
	[tilespmem:$0xA10] =	vst v58  }
0x59: {  	v8 =	vld [tilespmem:$0x480];
	[tilespmem:$0xE10] =	vst v59  }
0x5a: {  	v9 =	vld [tilespmem:$0x490];
	[tilespmem:$0xA20] =	vst v60  }
0x5b: {  	v10 =	vld [tilespmem:$0x4A0];
	[tilespmem:$0xE20] =	vst v61  }
0x5c: {  	v11 =	vld [tilespmem:$0x4B0];
	[tilespmem:$0xA30] =	vst v62  }
0x5d: {  	v12 =	vld [tilespmem:$0x4C0];
	[tilespmem:$0xE30] =	vst v63  }
0x5e: {  	v13 =	vld [tilespmem:$0x4D0];
	[tilespmem:$0xA40] =	vst v8  }
0x5f: {  	v14 =	vld [tilespmem:$0x4E0];
	[tilespmem:$0xE40] =	vst v9  }
0x60: {  	v15 =	vld [tilespmem:$0x4F0];
	[tilespmem:$0xA50] =	vst v10  }
0x61: {  	v16 =	vld [tilespmem:$0x500];
	[tilespmem:$0xE50] =	vst v11  }
0x62: {  	v17 =	vld [tilespmem:$0x510];
	[tilespmem:$0xA60] =	vst v12  }
0x63: {  	v18 =	vld [tilespmem:$0x520];
	[tilespmem:$0xE60] =	vst v13  }
0x64: {  	v19 =	vld [tilespmem:$0x530];
	[tilespmem:$0xA70] =	vst v14  }
0x65: {  	v20 =	vld [tilespmem:$0x540];
	[tilespmem:$0xE70] =	vst v15  }
0x66: {  	v21 =	vld [tilespmem:$0x550];
	[tilespmem:$0xA80] =	vst v16  }
0x67: {  	v22 =	vld [tilespmem:$0x560];
	[tilespmem:$0xE80] =	vst v17  }
0x68: {  	v23 =	vld [tilespmem:$0x570];
	[tilespmem:$0xA90] =	vst v18  }
0x69: {  	v24 =	vld [tilespmem:$0x580];
	[tilespmem:$0xE90] =	vst v19  }
0x6a: {  	v25 =	vld [tilespmem:$0x590];
	[tilespmem:$0xAA0] =	vst v20  }
0x6b: {  	v26 =	vld [tilespmem:$0x5A0];
	[tilespmem:$0xEA0] =	vst v21  }
0x6c: {  	v27 =	vld [tilespmem:$0x5B0];
	[tilespmem:$0xAB0] =	vst v22  }
0x6d: {  	v28 =	vld [tilespmem:$0x5C0];
	[tilespmem:$0xEB0] =	vst v23  }
0x6e: {  	v29 =	vld [tilespmem:$0x5D0];
	[tilespmem:$0xAC0] =	vst v24  }
0x6f: {  	v30 =	vld [tilespmem:$0x5E0];
	[tilespmem:$0xEC0] =	vst v25  }
0x70: {  	v31 =	vld [tilespmem:$0x5F0];
	[tilespmem:$0xAD0] =	vst v26  }
0x71: {  	v32 =	vld [tilespmem:$0x600];
	[tilespmem:$0xED0] =	vst v27  }
0x72: {  	v33 =	vld [tilespmem:$0x610];
	[tilespmem:$0xAE0] =	vst v28  }
0x73: {  	v34 =	vld [tilespmem:$0x620];
	[tilespmem:$0xEE0] =	vst v29  }
0x74: {  	v35 =	vld [tilespmem:$0x630];
	[tilespmem:$0xAF0] =	vst v30  }
0x75: {  	v36 =	vld [tilespmem:$0x640];
	[tilespmem:$0xEF0] =	vst v31  }
0x76: {  	v37 =	vld [tilespmem:$0x650];
	[tilespmem:$0xB00] =	vst v32  }
0x77: {  	v38 =	vld [tilespmem:$0x660];
	[tilespmem:$0xF00] =	vst v33  }
0x78: {  	v39 =	vld [tilespmem:$0x670];
	[tilespmem:$0xB10] =	vst v34  }
0x79: {  	v40 =	vld [tilespmem:$0x680];
	[tilespmem:$0xF10] =	vst v35  }
0x7a: {  	v41 =	vld [tilespmem:$0x690];
	[tilespmem:$0xB20] =	vst v36  }
0x7b: {  	v42 =	vld [tilespmem:$0x6A0];
	[tilespmem:$0xF20] =	vst v37  }
0x7c: {  	v43 =	vld [tilespmem:$0x6B0];
	[tilespmem:$0xB30] =	vst v38  }
0x7d: {  	v44 =	vld [tilespmem:$0x6C0];
	[tilespmem:$0xF30] =	vst v39  }
0x7e: {  	v45 =	vld [tilespmem:$0x6D0];
	[tilespmem:$0xB40] =	vst v40  }
0x7f: {  	v46 =	vld [tilespmem:$0x6E0];
	[tilespmem:$0xF40] =	vst v41  }
0x80: {  	v47 =	vld [tilespmem:$0x6F0];
	[tilespmem:$0xB50] =	vst v42  }
0x81: {  	v48 =	vld [tilespmem:$0x700];
	[tilespmem:$0xF50] =	vst v43  }
0x82: {  	v49 =	vld [tilespmem:$0x710];
	[tilespmem:$0xB60] =	vst v44  }
0x83: {  	v50 =	vld [tilespmem:$0x720];
	[tilespmem:$0xF60] =	vst v45  }
0x84: {  	v51 =	vld [tilespmem:$0x730];
	[tilespmem:$0xB70] =	vst v46  }
0x85: {  	v52 =	vld [tilespmem:$0x740];
	[tilespmem:$0xF70] =	vst v47  }
0x86: {  	[tilespmem:$0xB80] =	vst v48;
	v53 =	vld [tilespmem:$0x750]  }
0x87: {  	[tilespmem:$0xF80] =	vst v49;
	v54 =	vld [tilespmem:$0x760]  }
0x88: {  	[tilespmem:$0xB90] =	vst v50;
	v55 =	vld [tilespmem:$0x770]  }
0x89: {  	[tilespmem:$0xF90] =	vst v51;
	v56 =	vld [tilespmem:$0x780]  }
0x8a: {  	[tilespmem:$0xBA0] =	vst v52;
	v57 =	vld [tilespmem:$0x790]  }
0x8b: {  	v58 =	vld [tilespmem:$0x7A0];
	[tilespmem:$0xFA0] =	vst v53  }
0x8c: {  	v59 =	vld [tilespmem:$0x7B0];
	[tilespmem:$0xBB0] =	vst v54  }
0x8d: {  	v60 =	vld [tilespmem:$0x7C0];
	[tilespmem:$0xFB0] =	vst v55  }
0x8e: {  	v61 =	vld [tilespmem:$0x7D0];
	[tilespmem:$0xBC0] =	vst v56  }
0x8f: {  	v62 =	vld [tilespmem:$0x7E0];
	[tilespmem:$0xFC0] =	vst v57  }
0x90: {  	v63 =	vld [tilespmem:$0x7F0];
	[tilespmem:$0xBD0] =	vst v58  }
0x91: {  	[tilespmem:$0xFD0] =	vst v59  }
0x92: {  	[tilespmem:$0xBE0] =	vst v60  }
0x93: {  	[tilespmem:$0xFE0] =	vst v61  }
0x94: {  	[tilespmem:$0xBF0] =	vst v62  }
0x95: {  	[tilespmem:$0xFF0] =	vst v63  }
0x96: {  	[tilespmem:s10], [sflag:$0x1] =	stream.indirect.gather [hbm4b:s3+s8], $0x80, s9, s8, $0xb8;
	[tilespmem:$0x11000] =	vst v63  }
0x97: {  	s18 =	simm.s32 $0x0  }
0x98: {  	[tilespmem:s12], [sflag:$0x1] =	stream.indirect.gather [hbm4b:s3+s8], $0x80, s11, s8, $0xb8;
	[tilespmem:$0x11000] =	vst v63  }
.LBB2_2:
0x99: {  	s19 =	sshllo.u32 s18, $0x1  }
0x9a: {  	s20 =	sshll.u32 s19, $0x7  }
0x9b: {  	s21 =	sadd.s32 $0x800, s20  }
0x9c: {  	[tilespmem:s13], [sflag:$0x2] =	stream.indirect.gather [hbm4b:s3+s8], $0x80, s21, s8, $0xb8;
	[tilespmem:$0x11000] =	vst v63  }
0x9d: {  	s20 =	sadd.s32 $0xC00, s20  }
0x9e: {  	[tilespmem:s14], [sflag:$0x2] =	stream.indirect.gather [hbm4b:s3+s8], $0x80, s20, s8, $0xb8;
	[tilespmem:$0x11000] =	vst v63  }
0x9f: {  	_ =	swait.ge [sflag:s15], $0x4000  }
0xa0: {  	[sflag:s15] =	ssyncset.done $0x0  }
0xa1: {  	[sflag:s15] =	ssyncadd.s32 $0xFFFFC000  }
0xa2: {  	s31 =	sshll.u32 s18, $0xC;
	s22 =	simm.s32 $0x10;
	_ =	swait.ge [sflag:s15], $0x4000  }
0xa3: {  	s23 =	simm.s32 $0x1080;
	s20 =	sadd.s32 s31, s5;
	[sflag:s15] =	ssyncset.done $0x0  }
0xa4: {  	s21 =	simm.s32 $0x1000;
	s24 =	sadd.s32 $0x0, s20;
	[sflag:s15] =	ssyncadd.s32 $0xFFFFC000  }
.LBB2_3:
0xa5: {  	[hbm4b:s24+s2] =	stream.linear.scatter [tilespmem:s21], [sflag:$0x3], $0x40, $0x38;
	[tilespmem:$0x11000] =	vst v63  }
0xa6: {  	s24 =	smov.u32 s22;
	s21 =	smov.u32 s23;
	p0 =	sne.s32 s22, $0x7F0  }
.Ltmp0:
0xa7: {  	s22 =	sadd.s32 $0x10, s22;
	(pc) =	sbr.rel @p0 .LBB2_3-.Ltmp0, $2  }
0xa8: {  	_ =	sdelay $0x2  }
0xa9: {  	s23 =	sadd.s32 $0x80, s23;
	s24 =	sadd.s32 s24, s20  }
0xaa: {  	[hbm4b:s24+s2] =	stream.linear.scatter [tilespmem:s21], [sflag:$0x3], $0x40, $0x38;
	[tilespmem:$0x11000] =	vst v63  }
0xab: {  	s20 =	sadd.s32 $0x8, s20;
	_ =	swait.ge [sflag:s7], $0x2000  }
0xac: {  	s21 =	simm.s32 $0x5000;
	s22 =	simm.s32 $0x10;
	[sflag:s7] =	ssyncset.done $0x0  }
0xad: {  	s23 =	simm.s32 $0x5080;
	s24 =	sadd.s32 $0x0, s20;
	[sflag:s7] =	ssyncadd.s32 $0xFFFFE000  }
.LBB2_5:
0xae: {  	[hbm4b:s24+s2] =	stream.linear.scatter [tilespmem:s21], [sflag:$0x3], $0x40, $0x38;
	[tilespmem:$0x11000] =	vst v63  }
0xaf: {  	s24 =	smov.u32 s22;
	s21 =	smov.u32 s23;
	p0 =	sne.s32 s22, $0x7F0  }
.Ltmp1:
0xb0: {  	s22 =	sadd.s32 $0x10, s22;
	(pc) =	sbr.rel @p0 .LBB2_5-.Ltmp1, $2  }
0xb1: {  	_ =	sdelay $0x2  }
0xb2: {  	s23 =	sadd.s32 $0x80, s23;
	s24 =	sadd.s32 s24, s20  }
0xb3: {  	[hbm4b:s24+s2] =	stream.linear.scatter [tilespmem:s21], [sflag:$0x3], $0x40, $0x38;
	[tilespmem:$0x11000] =	vst v63  }
0xb4: {  	p0 =	seq.s32 s18, $0x3;
	_ =	swait.ge [sflag:s7], $0x2000  }
0xb5: {  	s20 =	sshll.u32 @!p0 s18, $0x8;
	s22 =	simm.s32 @!p0 $0x80;
	[sflag:s7] =	ssyncset.done $0x0  }
0xb6: {  	s23 =	simm.s32 @!p0 $0x1000;
	s21 =	sadd.s32 @!p0 $0x900, s20;
	[sflag:s7] =	ssyncadd.s32 $0xFFFFE000  }
0xb7: {  	[tilespmem:s23], [sflag:$0x1] =	stream.indirect.gather @!p0 [hbm4b:s3+s22], $0x80, s21, s22, $0xb8;
	[tilespmem:$0x11000] =	vst v63  }
0xb8: {  	s20 =	sadd.s32 @!p0 $0xD00, s20;
	s21 =	simm.s32 @!p0 $0x5000  }
0xb9: {  	[tilespmem:s21], [sflag:$0x1] =	stream.indirect.gather @!p0 [hbm4b:s3+s22], $0x80, s20, s22, $0xb8;
	[tilespmem:$0x11000] =	vst v63  }
0xba: {  	_ =	swait.ge [sflag:s16], $0x4000  }
0xbb: {  	[sflag:s16] =	ssyncset.done $0x0  }
0xbc: {  	s19 =	sshll.u32 s19, $0xB;
	[sflag:s16] =	ssyncadd.s32 $0xFFFFC000  }
0xbd: {  	s19 =	sadd.s32 s19, s5;
	_ =	swait.ge [sflag:s16], $0x4000  }
0xbe: {  	s23 =	sadd.s32 $0x0, s19;
	s20 =	simm.s32 $0x9000;
	[sflag:s16] =	ssyncset.done $0x0  }
0xbf: {  	s21 =	simm.s32 $0x10;
	s22 =	simm.s32 $0x9080;
	[sflag:s16] =	ssyncadd.s32 $0xFFFFC000  }
.LBB2_7:
0xc0: {  	[hbm4b:s23+s2] =	stream.linear.scatter [tilespmem:s20], [sflag:$0x3], $0x40, $0x38;
	[tilespmem:$0x11000] =	vst v63  }
0xc1: {  	s23 =	smov.u32 s21;
	s20 =	smov.u32 s22;
	p0 =	sne.s32 s21, $0x7F0  }
.Ltmp2:
0xc2: {  	s21 =	sadd.s32 $0x10, s21;
	(pc) =	sbr.rel @p0 .LBB2_7-.Ltmp2, $2  }
0xc3: {  	_ =	sdelay $0x2  }
0xc4: {  	s22 =	sadd.s32 $0x80, s22;
	s23 =	sadd.s32 s23, s19  }
0xc5: {  	[hbm4b:s23+s2] =	stream.linear.scatter [tilespmem:s20], [sflag:$0x3], $0x40, $0x38;
	[tilespmem:$0x11000] =	vst v63  }
0xc6: {  	s19 =	sadd.s32 $0x8, s19;
	_ =	swait.ge [sflag:s7], $0x2000  }
0xc7: {  	s20 =	simm.s32 $0xD000;
	s21 =	simm.s32 $0x10;
	[sflag:s7] =	ssyncset.done $0x0  }
0xc8: {  	s22 =	simm.s32 $0xD080;
	s23 =	sadd.s32 $0x0, s19;
	[sflag:s7] =	ssyncadd.s32 $0xFFFFE000  }
.LBB2_9:
0xc9: {  	[hbm4b:s23+s2] =	stream.linear.scatter [tilespmem:s20], [sflag:$0x3], $0x40, $0x38;
	[tilespmem:$0x11000] =	vst v63  }
0xca: {  	s23 =	smov.u32 s21;
	s20 =	smov.u32 s22;
	p0 =	sne.s32 s21, $0x7F0  }
.Ltmp3:
0xcb: {  	s21 =	sadd.s32 $0x10, s21;
	(pc) =	sbr.rel @p0 .LBB2_9-.Ltmp3, $2  }
0xcc: {  	_ =	sdelay $0x2  }
0xcd: {  	s22 =	sadd.s32 $0x80, s22;
	s23 =	sadd.s32 s23, s19  }
0xce: {  	s18 =	sadd.s32 $0x1, s18  }
0xcf: {  	p0 =	sne.s32 s18, $0x4  }
.Ltmp4:
0xd0: {  	_ = 	snop;
	(pc) =	sbr.rel @p0 .LBB2_2-.Ltmp4, $4  }
0xd1: {  	[hbm4b:s23+s2] =	stream.linear.scatter [tilespmem:s20], [sflag:$0x3], $0x40, $0x38;
	[tilespmem:$0x11000] =	vst v63  }
0xd2: {  	_ =	swait.ge [sflag:s7], $0x2000  }
0xd3: {  	[sflag:s7] =	ssyncset.done $0x0  }
0xd4: {  	[sflag:s7] =	ssyncadd.s32 $0xFFFFE000  }
0xd5: {  	s17 =	sadd.s32 $0x1, s17  }
0xd6: {  	p0 =	sne.s32 s17, s6  }
.Ltmp5:
0xd7: {  	_ = 	snop;
	(pc) =	sbr.rel @p0 .LBB2_1-.Ltmp5, $1  }
0xd8: {  	_ =	sdelay $0x3  }
0xd9: {  	_ =	sfence.sel $0x180000  }
0xda: {  	[bflag:$0x0] =	sbarrier.arrive $0xFFFF  }
0xdb: {  	p0 =	sne.s32 s1, $0x0;
	_ =	strace $0x9000004A  }
0xdc: {  	s0 =	sadd.s32 @!p0 $0x100000, s0;
	[bflag:$0x2] =	sbarrier.arrive $0xFFFF  }
0xdd: {  	[sflag:s0] =	ssyncadd.tile.s32 @!p0 $0x1;
	_ =	shalt  }
.Lfunc_end2:
_tile_overlayer_lowered:
.L_overlay_start_2:
0xde: {  	(tag) =	ssettag $0x2  }
0xdf: {  	s0 =	rddreg [dreg:$0x0];
	s2 =	stileid.u32  }
0xe0: {  	s1 =	rddreg [dreg:$0x1];
	p0 =	sne.s32 s2, $0x0  }
0xe1: {  	s3 =	rddreg [dreg:$0x2];
	[bflag:$0x3] =	sbarrier.arrive $0xFFFF;
	s2 =	simm.s32 @!p0 $0x1C03  }
0xe2: {  	[timem:s3], [sflag:s2] =	dma.local @!p0 [hbm:s0], s1  }
0xe3: {  	s0 =	simm.s32 @!p0 $0x3  }
0xe4: {  	_ =	swait.ge @!p0 [sflag:s0], s1  }
0xe5: {  	s1 =	ssub.s32 @!p0 $0x0, s1;
	[sflag:s0] =	ssyncset.done @!p0 $0x0  }
0xe6: {  	[sflag:s0] =	ssyncadd.s32 @!p0 s1  }
0xe7: {  	[bflag:$0x3] =	sbarrier.arrive $0xFFFF  }
0xe8: {  	_ =	shalt  }

// kernel: kernel.9.cloned.1.call-start
scs
__scs_entry_jumppad:
0x0: {  	(pc) =	sbr.rel $0x88, $3  }
0x1: {  	(tag) =	ssettag $0x0;
	lr =	simm.s32 $0x1  }
0x2: {  	[smem:$0x3F99] =	sst lr;
	_ =	strace $0xD0000000  }
0x3: {  	_ = 	snop  }
0x4: {  	_ = 	snop  }
0x5: {  	_ = 	snop  }
0x6: {  	_ = 	snop  }
0x7: {  	_ = 	snop  }
__scs_overlays_trampoline_lowered:
0x8: {  	[smem:$0x3FA8] =	sst s0  }
0x9: {  	[smem:$0x3FA9] =	sst s1  }
0xa: {  	[smem:$0x3FAA] =	sst s2  }
0xb: {  	[smem:$0x3FAB] =	sst s3  }
0xc: {  	[smem:$0x3FAC] =	sst s4  }
0xd: {  	[smem:$0x3FAD] =	sst s5  }
0xe: {  	[smem:$0x3FAE] =	sst s6  }
0xf: {  	[smem:$0x3FAF] =	sst s7  }
0x10: {  	[smem:$0x3FB0] =	sst s8  }
0x11: {  	[smem:$0x3FB1] =	sst s9;
	s0 =	simm.s32 @!p0 $0x0  }
0x12: {  	s1 =	sld [smem:$0x3F97];
	s0 =	simm.s32 @p0 $0x1  }
0x13: {  	[smem:$0x3FB2] =	sst s0;
	s0 =	simm.s32 @!p1 $0x0  }
0x14: {  	s2 =	sld [smem:$0x3F96];
	s0 =	simm.s32 @p1 $0x1  }
0x15: {  	[smem:$0x3FB3] =	sst s0;
	s0 =	simm.s32 @!p2 $0x0  }
0x16: {  	s3 =	sld [smem:$0x3FDB];
	s0 =	simm.s32 @p2 $0x1  }
0x17: {  	s4 =	simm.s32 $0x1BF5;
	[smem:$0x3FB5] =	sst s0  }
0x18: {  	s0 =	sld [smem:$0x3F98];
	_ =	swait.ge [sflag:s4], $0x0  }
0x19: {  	s7 =	sld [smem:$0x3F99]  }
0x1a: {  	s8 =	sadd.s32 $0xFFFFE003, lr  }
0x1b: {  	s9 =	sadd.s32 $0xFFFFFEF7, lr;
	s5 =	simm.s32 $0xFFFFFFFF;
	p2 =	slt.u32 s8, $0xFFFFF086  }
0x1c: {  	p1 =	slt.u32 s9, $0xF7A;
	s5 =	simm.s32 @!p2 $0x0  }
0x1d: {  	s5 =	simm.s32 @p1 $0x1;
	p0 =	seq.s32 s7, s2  }
0x1e: {  	s7 =	smul.u32 @!p0 $0xF7A, s2;
	p2 =	seq.s32 @!p0 s5, $0x0  }
0x1f: {  	s9 =	smul.u32 $0xF7A, s1;
	s8 =	simm.s32 @!p0 $0x1BF5;
	p2 =	por !p2, p0  }
0x20: {  	[sflag:s8] =	ssyncset.s32 @!p0 $0xFFFFF086;
	s6 =	sadd.s32 @!p0 s3, s7;
	s7 =	simm.s32 @!p0 $0x108  }
0x21: {  	s3 =	sadd.s32 s3, s9;
	s6 =	sadd.s32 @!p0 $0x88, s6;
	s7 =	simm.s32 @p2 $0x1082  }
0x22: {  	[simem:s7], [sflag:s8] =	dma.local @!p0 [hbm:s6], $0xF7A  }
0x23: {  	s9 =	sor.u32 $0xD0000000, s2;
	s6 =	simm.s32 $0x108;
	_ =	swait.ge @!p0 [sflag:s8], $0x0  }
0x24: {  	s3 =	sadd.s32 $0x88, s3;
	s6 =	simm.s32 @!p1 $0x1082;
	[sflag:s4] =	ssyncset.s32 $0xFFFFF086  }
0x25: {  	[simem:s6], [sflag:s4] =	dma.local [hbm:s3], $0xF7A  }
0x26: {  	[smem:$0x3F99] =	sst s1;
	(tag) =	ssettag s2;
	_ =	strace s9  }
0x27: {  	s1 =	sld [smem:$0x3FA9]  }
0x28: {  	s2 =	sld [smem:$0x3FAA]  }
0x29: {  	s4 =	sld [smem:$0x3FAC]  }
0x2a: {  	p0 =	seq.s32 s5, $0x0;
	s5 =	sld [smem:$0x3FAD]  }
0x2b: {  	s6 =	sld [smem:$0x3FAE]  }
0x2c: {  	s7 =	sld [smem:$0x3FAF]  }
0x2d: {  	s3 =	simm.s32 $0x108;
	s8 =	sld [smem:$0x3FB0]  }
0x2e: {  	s3 =	simm.s32 @!p0 $0x1082;
	s9 =	sld [smem:$0x3FB1]  }
0x2f: {  	lr =	sadd.s32 s0, s3;
	s0 =	sld [smem:$0x3FA8]  }
0x30: {  	s3 =	sld [smem:$0x3FAB]  }
0x31: {  	[smem:$0x3FB4] =	sst s10  }
0x32: {  	s10 =	sld [smem:$0x3FB2];
	_ =	sdelay $0x3  }
0x33: {  	p0 =	seq.s32 s10, $0x1;
	s10 =	sld [smem:$0x3FB4];
	_ =	sdelay $0x3  }
0x34: {  	[smem:$0x3FB4] =	sst s10  }
0x35: {  	s10 =	sld [smem:$0x3FB3];
	_ =	sdelay $0x3  }
0x36: {  	p1 =	seq.s32 s10, $0x1;
	s10 =	sld [smem:$0x3FB4];
	_ =	sdelay $0x3  }
0x37: {  	[smem:$0x3FB4] =	sst s10  }
0x38: {  	s10 =	sld [smem:$0x3FB5]  }
0x39: {  	_ = 	snop;
	(pc) =	sbr.ind lr, $3  }
0x3a: {  	_ = 	snop  }
0x3b: {  	_ = 	snop  }
0x3c: {  	p2 =	seq.s32 s10, $0x1;
	s10 =	sld [smem:$0x3FB4]  }
0x3d: {  	_ =	shalt  }
0x3e: {  	_ =	shalt  }
0x3f: {  	_ =	shalt  }
0x40: {  	_ =	shalt  }
0x41: {  	_ =	shalt  }
0x42: {  	_ =	shalt  }
0x43: {  	_ =	shalt  }
0x44: {  	_ =	shalt  }
0x45: {  	_ =	shalt  }
0x46: {  	_ =	shalt  }
0x47: {  	_ =	shalt  }
0x48: {  	_ =	shalt  }
0x49: {  	_ =	shalt  }
0x4a: {  	_ =	shalt  }
0x4b: {  	_ =	shalt  }
0x4c: {  	_ =	shalt  }
0x4d: {  	_ =	shalt  }
0x4e: {  	_ =	shalt  }
0x4f: {  	_ =	shalt  }
0x50: {  	_ =	shalt  }
0x51: {  	_ =	shalt  }
0x52: {  	_ =	shalt  }
0x53: {  	_ =	shalt  }
0x54: {  	_ =	shalt  }
0x55: {  	_ =	shalt  }
0x56: {  	_ =	shalt  }
0x57: {  	_ =	shalt  }
0x58: {  	_ =	shalt  }
0x59: {  	_ =	shalt  }
0x5a: {  	_ =	shalt  }
0x5b: {  	_ =	shalt  }
0x5c: {  	_ =	shalt  }
0x5d: {  	_ =	shalt  }
0x5e: {  	_ =	shalt  }
0x5f: {  	_ =	shalt  }
0x60: {  	_ =	shalt  }
0x61: {  	_ =	shalt  }
0x62: {  	_ =	shalt  }
0x63: {  	_ =	shalt  }
0x64: {  	_ =	shalt  }
0x65: {  	_ =	shalt  }
0x66: {  	_ =	shalt  }
0x67: {  	_ =	shalt  }
0x68: {  	_ =	shalt  }
0x69: {  	_ =	shalt  }
0x6a: {  	_ =	shalt  }
0x6b: {  	_ =	shalt  }
0x6c: {  	_ =	shalt  }
0x6d: {  	_ =	shalt  }
0x6e: {  	_ =	shalt  }
0x6f: {  	_ =	shalt  }
0x70: {  	_ =	shalt  }
0x71: {  	_ =	shalt  }
0x72: {  	_ =	shalt  }
0x73: {  	_ =	shalt  }
0x74: {  	_ =	shalt  }
0x75: {  	_ =	shalt  }
0x76: {  	_ =	shalt  }
0x77: {  	_ =	shalt  }
0x78: {  	_ =	shalt  }
0x79: {  	_ =	shalt  }
0x7a: {  	_ =	shalt  }
0x7b: {  	_ =	shalt  }
0x7c: {  	_ =	shalt  }
0x7d: {  	_ =	shalt  }
0x7e: {  	_ =	shalt  }
0x7f: {  	_ =	shalt  }
0x80: {  	_ =	shalt  }
0x81: {  	_ =	shalt  }
0x82: {  	_ =	shalt  }
0x83: {  	_ =	shalt  }
0x84: {  	_ =	shalt  }
0x85: {  	_ =	shalt  }
0x86: {  	_ =	shalt  }
0x87: {  	_ =	shalt  }
.Lfunc_end0:
.L_simem_size_0:
called_computation.1_lowered:
.L_overlay_start_0:
0x88: {  	s2 =	sld [smem:$0x3FD9]  }
0x89: {  	s3 =	sld [smem:$0x3FFE];
	_ =	sdelay $0x1  }
0x8a: {  	s1 =	srdreg.scid  }
0x8b: {  	s0 =	sand.u32 $0x1, s1  }
0x8c: {  	s17 =	sshll.u32 s0, $0xA;
	s2 =	sadd.s32 s3, s2  }
0x8d: {  	s2 =	sadd.s32 s2, s17  }
0x8e: {  	[smem:$0x3FC0] =	sst s2  }
0x8f: {  	_ = 	snop  }
0x90: {  	s2 =	sld [smem:$0x3FD0];
	(tm) =	ssettm $0x1  }
0x91: {  	s18 =	sld [smem:$0x3FFB];
	_ =	sdelay $0x3  }
0x92: {  	_ =	strace s18  }
0x93: {  	s3 =	sld [smem:$0x3FFC];
	_ =	sdelay $0x3  }
0x94: {  	_ =	strace s3  }
0x95: {  	s3 =	sld [smem:$0x3FFD];
	_ =	sdelay $0x3  }
0x96: {  	_ =	strace s3  }
0x97: {  	_ =	strace $0x8FFFFFFF  }
0x98: {  	s19 =	sld [smem:$0x3FDB];
	_ =	sdelay $0x1  }
0x99: {  	s4 =	simm.s32 $_scs_section_size  }
0x9a: {  	s5 =	simm.s32 $_size__tile_overlayer_lowered;
	s6 =	simm.s32 $_tile_overlayer_lowered  }
0x9b: {  	s22 =	simm.s32 $0x1BFF;
	s21 =	sshll.u32 s6, $0x1;
	s3 =	sadd.s32 s4, s19  }
0x9c: {  	s7 =	simm.s32 $0x0;
	s20 =	sshll.u32 s5, $0x1;
	s5 =	sadd.s32 s21, s3  }
0x9d: {  	[timem:s7], [sflag:s22] =	dma.local [hbm:s5], s20  }
0x9e: {  	_ =	swait.ge [sflag:s22], s20  }
0x9f: {  	s4 =	ssub.s32 $0x0, s20;
	[sflag:s22] =	ssyncset.done $0x0  }
0xa0: {  	[sflag:s22] =	ssyncadd.s32 s4;
	_ =	sdelay $0x1  }
0xa1: {  	s23 =	simm.s32 $0x1B8B  }
0xa2: {  	_ =	swait.ge [sflag:s23], $0x1  }
0xa3: {  	[sflag:s23] =	ssyncset.done $0x0  }
0xa4: {  	s25 =	simm.s32 $0x1B8E;
	s24 =	sld [smem:$0x3FFE];
	[sflag:s23] =	ssyncadd.s32 $0xFFFFFFFF  }
0xa5: {  	s26 =	simm.s32 $execute0_lowered;
	[smem:$0x3FD2] =	sst s25  }
0xa6: {  	s5 =	sshll.u32 s26, $0x1;
	_ =	strace $0x80000046;
	[dreg:$0x1] =	wrdreg $0xFFFFFFFF  }
0xa7: {  	s28 =	simm.s32 $_size_execute0_lowered;
	s3 =	sadd.s32 s3, s5;
	[dreg:$0x0] =	wrdreg $0x0  }
0xa8: {  	s5 =	sshll.u32 s28, $0x1;
	[dreg:$0x2] =	wrdreg s3  }
0xa9: {  	[dreg:$0x3] =	wrdreg s5  }
0xaa: {  	[dreg:$0x4] =	wrdreg $0xC0  }
0xab: {  	_ =	task [dreg:s7], $0x5FFFF  }
0xac: {  	[dreg:$0x1] =	wrdreg $0xFFFFFFFF  }
0xad: {  	[dreg:$0x0] =	wrdreg $0x60  }
0xae: {  	[dreg:$0x2] =	wrdreg s24  }
0xaf: {  	[dreg:$0x3] =	wrdreg s2  }
0xb0: {  	[dreg:$0x4] =	wrdreg $0xA  }
0xb1: {  	_ =	task.clear_ibuf [dreg:s7], $0x5FFFF;
	_ =	strace $0x90000046  }
0xb2: {  	s29 =	simm.s32 $0xA;
	_ =	strace $0x80000048  }
0xb3: {  	_ =	swait.ge [sflag:s29], $0x1  }
0xb4: {  	[sflag:s29] =	ssyncadd.s32 $0xFFFFFFFF  }
0xb5: {  	_ =	strace $0x90000048  }
0xb6: {  	_ =	sfence  }
0xb7: {  	s30 =	sld [smem:$0x0];
	_ =	sdelay $0x2  }
0xb8: {  	s31 =	sshll.u32 s1, $0xD;
	s1 =	sshrl.u32 s1, $0x2  }
0xb9: {  	s3 =	sand.u32 $0x4000, s31;
	s1 =	sadd.s32 s1, s30  }
0xba: {  	s0 =	sor.u32 s3, s0;
	s1 =	sshll.u32 s1, $0x11  }
0xbb: {  	s0 =	sor.u32 s1, s0  }
0xbc: {  	s0 =	sadd.s32 $0x8F2B, s0  }
0xbd: {  	[sflag:s0] =	ssyncadd.remote.s32 $0x1  }
0xbe: {  	_ =	sfence.sel $0xFFFF  }
0xbf: {  	[dreg:$0x0] =	wrdreg $0xFFFFFFFF;
	(pc) =	sbr.abs _section_cstart, $3  }
0xc0: {  	[dreg:$0x1] =	wrdreg $0xFFFFFFFF  }
0xc1: {  	_ =	task.clear_ibuf [dreg:s7], $0x2FFFF;
	_ =	strace $0x9FFFFFFF  }
0xc2: {  	(tm) =	ssettm $0x7FFFFFFF  }
0xc3: {  	_ =	shalt  }
tec
execute0_lowered:
.L_overlay_start_1:
0x0: {  	(tag) =	ssettag $0x1  }
0x1: {  	s4 =	rddreg [dreg:$0x0]  }
0x2: {  	s5 =	rddreg [dreg:$0x1]  }
0x3: {  	s0 =	rddreg [dreg:$0x2];
	s2 =	simm.s32 $0x0;
	s3 =	srdreg.scid  }
0x4: {  	s1 =	stileid.u32;
	s9 =	simm.s32 $0x800;
	s10 =	simm.s32 $0x1000  }
0x5: {  	s11 =	simm.s32 $0xC00;
	s12 =	simm.s32 $0x5000;
	s13 =	simm.s32 $0x9000  }
0x6: {  	s14 =	simm.s32 $0xD000;
	s15 =	simm.s32 $0x1;
	s16 =	simm.s32 $0x2  }
0x7: {  	s17 =	simm.s32 $0x0;
	s6 =	sand.u32 $0x1, s3;
	s30 =	sshll.u32 s1, $0x1  }
0x8: {  	[smem:$0x7FF] =	sst s2;
	s3 =	sadd.s32 $0x189600, s4;
	s7 =	sor.u32 s6, s30  }
0x9: {  	_ =	strace $0x80000047;
	s6 =	ssub.s32 $0x2, s6;
	s8 =	sshll.u32 s7, $0xE  }
0xa: {  	s31 =	sshrl.u32 s6, $0x1;
	s7 =	sshll.u32 s7, $0x8;
	s8 =	sadd.s32 s8, s4  }
0xb: {  	s6 =	ssub.s32 s6, s31;
	s4 =	sadd.s32 s5, s7;
	s7 =	simm.s32 $0x3  }
0xc: {  	s5 =	sadd.s32 $0x1A00, s8;
	s6 =	smax.u32 s6, $0x1;
	s8 =	simm.s32 $0x80  }
.LBB2_1:
0xd: {  	[tilespmem:s2], [sflag:$0x3] =	stream.linear.gather [hbm4b:s4+s2], $0x800, $0x38;
	[tilespmem:$0x11000] =	vst v63  }
0xe: {  	_ =	swait.ge [sflag:s7], $0x800  }
0xf: {  	[sflag:s7] =	ssyncset.done $0x0  }
0x10: {  	[sflag:s7] =	ssyncadd.s32 $0xFFFFF800  }
0x11: {  	v0 =	vld [tilespmem:$0x0]  }
0x12: {  	v1 =	vld [tilespmem:$0x10]  }
0x13: {  	v2 =	vld [tilespmem:$0x20]  }
0x14: {  	v3 =	vld [tilespmem:$0x30]  }
0x15: {  	v4 =	vld [tilespmem:$0x40]  }
0x16: {  	v53 =	vld [tilespmem:$0x50];
	[tilespmem:$0x800] =	vst v0  }
0x17: {  	v54 =	vld [tilespmem:$0x60];
	[tilespmem:$0xC00] =	vst v1  }
0x18: {  	v55 =	vld [tilespmem:$0x70];
	[tilespmem:$0x810] =	vst v2  }
0x19: {  	v56 =	vld [tilespmem:$0x80];
	[tilespmem:$0xC10] =	vst v3  }
0x1a: {  	v57 =	vld [tilespmem:$0x90];
	[tilespmem:$0x820] =	vst v4  }
0x1b: {  	v58 =	vld [tilespmem:$0xA0];
	[tilespmem:$0xC20] =	vst v53  }
0x1c: {  	v59 =	vld [tilespmem:$0xB0];
	[tilespmem:$0x830] =	vst v54  }
0x1d: {  	v60 =	vld [tilespmem:$0xC0];
	[tilespmem:$0xC30] =	vst v55  }
0x1e: {  	v61 =	vld [tilespmem:$0xD0];
	[tilespmem:$0x840] =	vst v56  }
0x1f: {  	v62 =	vld [tilespmem:$0xE0];
	[tilespmem:$0xC40] =	vst v57  }
0x20: {  	v63 =	vld [tilespmem:$0xF0];
	[tilespmem:$0x850] =	vst v58  }
0x21: {  	v8 =	vld [tilespmem:$0x100];
	[tilespmem:$0xC50] =	vst v59  }
0x22: {  	v9 =	vld [tilespmem:$0x110];
	[tilespmem:$0x860] =	vst v60  }
0x23: {  	v10 =	vld [tilespmem:$0x120];
	[tilespmem:$0xC60] =	vst v61  }
0x24: {  	v11 =	vld [tilespmem:$0x130];
	[tilespmem:$0x870] =	vst v62  }
0x25: {  	v12 =	vld [tilespmem:$0x140];
	[tilespmem:$0xC70] =	vst v63  }
0x26: {  	v13 =	vld [tilespmem:$0x150];
	[tilespmem:$0x880] =	vst v8  }
0x27: {  	v14 =	vld [tilespmem:$0x160];
	[tilespmem:$0xC80] =	vst v9  }
0x28: {  	v15 =	vld [tilespmem:$0x170];
	[tilespmem:$0x890] =	vst v10  }
0x29: {  	v16 =	vld [tilespmem:$0x180];
	[tilespmem:$0xC90] =	vst v11  }
0x2a: {  	v17 =	vld [tilespmem:$0x190];
	[tilespmem:$0x8A0] =	vst v12  }
0x2b: {  	v18 =	vld [tilespmem:$0x1A0];
	[tilespmem:$0xCA0] =	vst v13  }
0x2c: {  	v19 =	vld [tilespmem:$0x1B0];
	[tilespmem:$0x8B0] =	vst v14  }
0x2d: {  	v20 =	vld [tilespmem:$0x1C0];
	[tilespmem:$0xCB0] =	vst v15  }
0x2e: {  	v21 =	vld [tilespmem:$0x1D0];
	[tilespmem:$0x8C0] =	vst v16  }
0x2f: {  	v22 =	vld [tilespmem:$0x1E0];
	[tilespmem:$0xCC0] =	vst v17  }
0x30: {  	v23 =	vld [tilespmem:$0x1F0];
	[tilespmem:$0x8D0] =	vst v18  }
0x31: {  	v24 =	vld [tilespmem:$0x200];
	[tilespmem:$0xCD0] =	vst v19  }
0x32: {  	v25 =	vld [tilespmem:$0x210];
	[tilespmem:$0x8E0] =	vst v20  }
0x33: {  	v26 =	vld [tilespmem:$0x220];
	[tilespmem:$0xCE0] =	vst v21  }
0x34: {  	v27 =	vld [tilespmem:$0x230];
	[tilespmem:$0x8F0] =	vst v22  }
0x35: {  	v28 =	vld [tilespmem:$0x240];
	[tilespmem:$0xCF0] =	vst v23  }
0x36: {  	v29 =	vld [tilespmem:$0x250];
	[tilespmem:$0x900] =	vst v24  }
0x37: {  	v30 =	vld [tilespmem:$0x260];
	[tilespmem:$0xD00] =	vst v25  }
0x38: {  	v31 =	vld [tilespmem:$0x270];
	[tilespmem:$0x910] =	vst v26  }
0x39: {  	v32 =	vld [tilespmem:$0x280];
	[tilespmem:$0xD10] =	vst v27  }
0x3a: {  	v33 =	vld [tilespmem:$0x290];
	[tilespmem:$0x920] =	vst v28  }
0x3b: {  	v34 =	vld [tilespmem:$0x2A0];
	[tilespmem:$0xD20] =	vst v29  }
0x3c: {  	v35 =	vld [tilespmem:$0x2B0];
	[tilespmem:$0x930] =	vst v30  }
0x3d: {  	v36 =	vld [tilespmem:$0x2C0];
	[tilespmem:$0xD30] =	vst v31  }
0x3e: {  	v37 =	vld [tilespmem:$0x2D0];
	[tilespmem:$0x940] =	vst v32  }
0x3f: {  	v38 =	vld [tilespmem:$0x2E0];
	[tilespmem:$0xD40] =	vst v33  }
0x40: {  	v39 =	vld [tilespmem:$0x2F0];
	[tilespmem:$0x950] =	vst v34  }
0x41: {  	v40 =	vld [tilespmem:$0x300];
	[tilespmem:$0xD50] =	vst v35  }
0x42: {  	v41 =	vld [tilespmem:$0x310];
	[tilespmem:$0x960] =	vst v36  }
0x43: {  	v42 =	vld [tilespmem:$0x320];
	[tilespmem:$0xD60] =	vst v37  }
0x44: {  	v43 =	vld [tilespmem:$0x330];
	[tilespmem:$0x970] =	vst v38  }
0x45: {  	v44 =	vld [tilespmem:$0x340];
	[tilespmem:$0xD70] =	vst v39  }
0x46: {  	v45 =	vld [tilespmem:$0x350];
	[tilespmem:$0x980] =	vst v40  }
0x47: {  	v46 =	vld [tilespmem:$0x360];
	[tilespmem:$0xD80] =	vst v41  }
0x48: {  	v47 =	vld [tilespmem:$0x370];
	[tilespmem:$0x990] =	vst v42  }
0x49: {  	v48 =	vld [tilespmem:$0x380];
	[tilespmem:$0xD90] =	vst v43  }
0x4a: {  	v49 =	vld [tilespmem:$0x390];
	[tilespmem:$0x9A0] =	vst v44  }
0x4b: {  	v50 =	vld [tilespmem:$0x3A0];
	[tilespmem:$0xDA0] =	vst v45  }
0x4c: {  	v51 =	vld [tilespmem:$0x3B0];
	[tilespmem:$0x9B0] =	vst v46  }
0x4d: {  	v52 =	vld [tilespmem:$0x3C0];
	[tilespmem:$0xDB0] =	vst v47  }
0x4e: {  	[tilespmem:$0x9C0] =	vst v48;
	v53 =	vld [tilespmem:$0x3D0]  }
0x4f: {  	[tilespmem:$0xDC0] =	vst v49;
	v54 =	vld [tilespmem:$0x3E0]  }
0x50: {  	[tilespmem:$0x9D0] =	vst v50;
	v55 =	vld [tilespmem:$0x3F0]  }
0x51: {  	[tilespmem:$0xDD0] =	vst v51;
	v56 =	vld [tilespmem:$0x400]  }
0x52: {  	[tilespmem:$0x9E0] =	vst v52;
	v57 =	vld [tilespmem:$0x410]  }
0x53: {  	v58 =	vld [tilespmem:$0x420];
	[tilespmem:$0xDE0] =	vst v53  }
0x54: {  	v59 =	vld [tilespmem:$0x430];
	[tilespmem:$0x9F0] =	vst v54  }
0x55: {  	v60 =	vld [tilespmem:$0x440];
	[tilespmem:$0xDF0] =	vst v55  }
0x56: {  	v61 =	vld [tilespmem:$0x450];
	[tilespmem:$0xA00] =	vst v56  }
0x57: {  	v62 =	vld [tilespmem:$0x460];
	[tilespmem:$0xE00] =	vst v57  }
0x58: {  	v63 =	vld [tilespmem:$0x470];
	[tilespmem:$0xA10] =	vst v58  }
0x59: {  	v8 =	vld [tilespmem:$0x480];
	[tilespmem:$0xE10] =	vst v59  }
0x5a: {  	v9 =	vld [tilespmem:$0x490];
	[tilespmem:$0xA20] =	vst v60  }
0x5b: {  	v10 =	vld [tilespmem:$0x4A0];
	[tilespmem:$0xE20] =	vst v61  }
0x5c: {  	v11 =	vld [tilespmem:$0x4B0];
	[tilespmem:$0xA30] =	vst v62  }
0x5d: {  	v12 =	vld [tilespmem:$0x4C0];
	[tilespmem:$0xE30] =	vst v63  }
0x5e: {  	v13 =	vld [tilespmem:$0x4D0];
	[tilespmem:$0xA40] =	vst v8  }
0x5f: {  	v14 =	vld [tilespmem:$0x4E0];
	[tilespmem:$0xE40] =	vst v9  }
0x60: {  	v15 =	vld [tilespmem:$0x4F0];
	[tilespmem:$0xA50] =	vst v10  }
0x61: {  	v16 =	vld [tilespmem:$0x500];
	[tilespmem:$0xE50] =	vst v11  }
0x62: {  	v17 =	vld [tilespmem:$0x510];
	[tilespmem:$0xA60] =	vst v12  }
0x63: {  	v18 =	vld [tilespmem:$0x520];
	[tilespmem:$0xE60] =	vst v13  }
0x64: {  	v19 =	vld [tilespmem:$0x530];
	[tilespmem:$0xA70] =	vst v14  }
0x65: {  	v20 =	vld [tilespmem:$0x540];
	[tilespmem:$0xE70] =	vst v15  }
0x66: {  	v21 =	vld [tilespmem:$0x550];
	[tilespmem:$0xA80] =	vst v16  }
0x67: {  	v22 =	vld [tilespmem:$0x560];
	[tilespmem:$0xE80] =	vst v17  }
0x68: {  	v23 =	vld [tilespmem:$0x570];
	[tilespmem:$0xA90] =	vst v18  }
0x69: {  	v24 =	vld [tilespmem:$0x580];
	[tilespmem:$0xE90] =	vst v19  }
0x6a: {  	v25 =	vld [tilespmem:$0x590];
	[tilespmem:$0xAA0] =	vst v20  }
0x6b: {  	v26 =	vld [tilespmem:$0x5A0];
	[tilespmem:$0xEA0] =	vst v21  }
0x6c: {  	v27 =	vld [tilespmem:$0x5B0];
	[tilespmem:$0xAB0] =	vst v22  }
0x6d: {  	v28 =	vld [tilespmem:$0x5C0];
	[tilespmem:$0xEB0] =	vst v23  }
0x6e: {  	v29 =	vld [tilespmem:$0x5D0];
	[tilespmem:$0xAC0] =	vst v24  }
0x6f: {  	v30 =	vld [tilespmem:$0x5E0];
	[tilespmem:$0xEC0] =	vst v25  }
0x70: {  	v31 =	vld [tilespmem:$0x5F0];
	[tilespmem:$0xAD0] =	vst v26  }
0x71: {  	v32 =	vld [tilespmem:$0x600];
	[tilespmem:$0xED0] =	vst v27  }
0x72: {  	v33 =	vld [tilespmem:$0x610];
	[tilespmem:$0xAE0] =	vst v28  }
0x73: {  	v34 =	vld [tilespmem:$0x620];
	[tilespmem:$0xEE0] =	vst v29  }
0x74: {  	v35 =	vld [tilespmem:$0x630];
	[tilespmem:$0xAF0] =	vst v30  }
0x75: {  	v36 =	vld [tilespmem:$0x640];
	[tilespmem:$0xEF0] =	vst v31  }
0x76: {  	v37 =	vld [tilespmem:$0x650];
	[tilespmem:$0xB00] =	vst v32  }
0x77: {  	v38 =	vld [tilespmem:$0x660];
	[tilespmem:$0xF00] =	vst v33  }
0x78: {  	v39 =	vld [tilespmem:$0x670];
	[tilespmem:$0xB10] =	vst v34  }
0x79: {  	v40 =	vld [tilespmem:$0x680];
	[tilespmem:$0xF10] =	vst v35  }
0x7a: {  	v41 =	vld [tilespmem:$0x690];
	[tilespmem:$0xB20] =	vst v36  }
0x7b: {  	v42 =	vld [tilespmem:$0x6A0];
	[tilespmem:$0xF20] =	vst v37  }
0x7c: {  	v43 =	vld [tilespmem:$0x6B0];
	[tilespmem:$0xB30] =	vst v38  }
0x7d: {  	v44 =	vld [tilespmem:$0x6C0];
	[tilespmem:$0xF30] =	vst v39  }
0x7e: {  	v45 =	vld [tilespmem:$0x6D0];
	[tilespmem:$0xB40] =	vst v40  }
0x7f: {  	v46 =	vld [tilespmem:$0x6E0];
	[tilespmem:$0xF40] =	vst v41  }
0x80: {  	v47 =	vld [tilespmem:$0x6F0];
	[tilespmem:$0xB50] =	vst v42  }
0x81: {  	v48 =	vld [tilespmem:$0x700];
	[tilespmem:$0xF50] =	vst v43  }
0x82: {  	v49 =	vld [tilespmem:$0x710];
	[tilespmem:$0xB60] =	vst v44  }
0x83: {  	v50 =	vld [tilespmem:$0x720];
	[tilespmem:$0xF60] =	vst v45  }
0x84: {  	v51 =	vld [tilespmem:$0x730];
	[tilespmem:$0xB70] =	vst v46  }
0x85: {  	v52 =	vld [tilespmem:$0x740];
	[tilespmem:$0xF70] =	vst v47  }
0x86: {  	[tilespmem:$0xB80] =	vst v48;
	v53 =	vld [tilespmem:$0x750]  }
0x87: {  	[tilespmem:$0xF80] =	vst v49;
	v54 =	vld [tilespmem:$0x760]  }
0x88: {  	[tilespmem:$0xB90] =	vst v50;
	v55 =	vld [tilespmem:$0x770]  }
0x89: {  	[tilespmem:$0xF90] =	vst v51;
	v56 =	vld [tilespmem:$0x780]  }
0x8a: {  	[tilespmem:$0xBA0] =	vst v52;
	v57 =	vld [tilespmem:$0x790]  }
0x8b: {  	v58 =	vld [tilespmem:$0x7A0];
	[tilespmem:$0xFA0] =	vst v53  }
0x8c: {  	v59 =	vld [tilespmem:$0x7B0];
	[tilespmem:$0xBB0] =	vst v54  }
0x8d: {  	v60 =	vld [tilespmem:$0x7C0];
	[tilespmem:$0xFB0] =	vst v55  }
0x8e: {  	v61 =	vld [tilespmem:$0x7D0];
	[tilespmem:$0xBC0] =	vst v56  }
0x8f: {  	v62 =	vld [tilespmem:$0x7E0];
	[tilespmem:$0xFC0] =	vst v57  }
0x90: {  	v63 =	vld [tilespmem:$0x7F0];
	[tilespmem:$0xBD0] =	vst v58  }
0x91: {  	[tilespmem:$0xFD0] =	vst v59  }
0x92: {  	[tilespmem:$0xBE0] =	vst v60  }
0x93: {  	[tilespmem:$0xFE0] =	vst v61  }
0x94: {  	[tilespmem:$0xBF0] =	vst v62  }
0x95: {  	[tilespmem:$0xFF0] =	vst v63  }
0x96: {  	[tilespmem:s10], [sflag:$0x1] =	stream.indirect.gather [hbm4b:s3+s8], $0x80, s9, s8, $0xb8;
	[tilespmem:$0x11000] =	vst v63  }
0x97: {  	s18 =	simm.s32 $0x0  }
0x98: {  	[tilespmem:s12], [sflag:$0x1] =	stream.indirect.gather [hbm4b:s3+s8], $0x80, s11, s8, $0xb8;
	[tilespmem:$0x11000] =	vst v63  }
.LBB2_2:
0x99: {  	s19 =	sshllo.u32 s18, $0x1  }
0x9a: {  	s20 =	sshll.u32 s19, $0x7  }
0x9b: {  	s21 =	sadd.s32 $0x800, s20  }
0x9c: {  	[tilespmem:s13], [sflag:$0x2] =	stream.indirect.gather [hbm4b:s3+s8], $0x80, s21, s8, $0xb8;
	[tilespmem:$0x11000] =	vst v63  }
0x9d: {  	s20 =	sadd.s32 $0xC00, s20  }
0x9e: {  	[tilespmem:s14], [sflag:$0x2] =	stream.indirect.gather [hbm4b:s3+s8], $0x80, s20, s8, $0xb8;
	[tilespmem:$0x11000] =	vst v63  }
0x9f: {  	_ =	swait.ge [sflag:s15], $0x4000  }
0xa0: {  	[sflag:s15] =	ssyncset.done $0x0  }
0xa1: {  	[sflag:s15] =	ssyncadd.s32 $0xFFFFC000  }
0xa2: {  	s31 =	sshll.u32 s18, $0xC;
	s22 =	simm.s32 $0x10;
	_ =	swait.ge [sflag:s15], $0x4000  }
0xa3: {  	s23 =	simm.s32 $0x1080;
	s20 =	sadd.s32 s31, s5;
	[sflag:s15] =	ssyncset.done $0x0  }
0xa4: {  	s21 =	simm.s32 $0x1000;
	s24 =	sadd.s32 $0x0, s20;
	[sflag:s15] =	ssyncadd.s32 $0xFFFFC000  }
.LBB2_3:
0xa5: {  	[hbm4b:s24+s2] =	stream.linear.scatter [tilespmem:s21], [sflag:$0x3], $0x40, $0x38;
	[tilespmem:$0x11000] =	vst v63  }
0xa6: {  	s24 =	smov.u32 s22;
	s21 =	smov.u32 s23;
	p0 =	sne.s32 s22, $0x7F0  }
.Ltmp0:
0xa7: {  	s22 =	sadd.s32 $0x10, s22;
	(pc) =	sbr.rel @p0 .LBB2_3-.Ltmp0, $2  }
0xa8: {  	_ =	sdelay $0x2  }
0xa9: {  	s23 =	sadd.s32 $0x80, s23;
	s24 =	sadd.s32 s24, s20  }
0xaa: {  	[hbm4b:s24+s2] =	stream.linear.scatter [tilespmem:s21], [sflag:$0x3], $0x40, $0x38;
	[tilespmem:$0x11000] =	vst v63  }
0xab: {  	s20 =	sadd.s32 $0x8, s20;
	_ =	swait.ge [sflag:s7], $0x2000  }
0xac: {  	s21 =	simm.s32 $0x5000;
	s22 =	simm.s32 $0x10;
	[sflag:s7] =	ssyncset.done $0x0  }
0xad: {  	s23 =	simm.s32 $0x5080;
	s24 =	sadd.s32 $0x0, s20;
	[sflag:s7] =	ssyncadd.s32 $0xFFFFE000  }
.LBB2_5:
0xae: {  	[hbm4b:s24+s2] =	stream.linear.scatter [tilespmem:s21], [sflag:$0x3], $0x40, $0x38;
	[tilespmem:$0x11000] =	vst v63  }
0xaf: {  	s24 =	smov.u32 s22;
	s21 =	smov.u32 s23;
	p0 =	sne.s32 s22, $0x7F0  }
.Ltmp1:
0xb0: {  	s22 =	sadd.s32 $0x10, s22;
	(pc) =	sbr.rel @p0 .LBB2_5-.Ltmp1, $2  }
0xb1: {  	_ =	sdelay $0x2  }
0xb2: {  	s23 =	sadd.s32 $0x80, s23;
	s24 =	sadd.s32 s24, s20  }
0xb3: {  	[hbm4b:s24+s2] =	stream.linear.scatter [tilespmem:s21], [sflag:$0x3], $0x40, $0x38;
	[tilespmem:$0x11000] =	vst v63  }
0xb4: {  	p0 =	seq.s32 s18, $0x3;
	_ =	swait.ge [sflag:s7], $0x2000  }
0xb5: {  	s20 =	sshll.u32 @!p0 s18, $0x8;
	s22 =	simm.s32 @!p0 $0x80;
	[sflag:s7] =	ssyncset.done $0x0  }
0xb6: {  	s23 =	simm.s32 @!p0 $0x1000;
	s21 =	sadd.s32 @!p0 $0x900, s20;
	[sflag:s7] =	ssyncadd.s32 $0xFFFFE000  }
0xb7: {  	[tilespmem:s23], [sflag:$0x1] =	stream.indirect.gather @!p0 [hbm4b:s3+s22], $0x80, s21, s22, $0xb8;
	[tilespmem:$0x11000] =	vst v63  }
0xb8: {  	s20 =	sadd.s32 @!p0 $0xD00, s20;
	s21 =	simm.s32 @!p0 $0x5000  }
0xb9: {  	[tilespmem:s21], [sflag:$0x1] =	stream.indirect.gather @!p0 [hbm4b:s3+s22], $0x80, s20, s22, $0xb8;
	[tilespmem:$0x11000] =	vst v63  }
0xba: {  	_ =	swait.ge [sflag:s16], $0x4000  }
0xbb: {  	[sflag:s16] =	ssyncset.done $0x0  }
0xbc: {  	s19 =	sshll.u32 s19, $0xB;
	[sflag:s16] =	ssyncadd.s32 $0xFFFFC000  }
0xbd: {  	s19 =	sadd.s32 s19, s5;
	_ =	swait.ge [sflag:s16], $0x4000  }
0xbe: {  	s23 =	sadd.s32 $0x0, s19;
	s20 =	simm.s32 $0x9000;
	[sflag:s16] =	ssyncset.done $0x0  }
0xbf: {  	s21 =	simm.s32 $0x10;
	s22 =	simm.s32 $0x9080;
	[sflag:s16] =	ssyncadd.s32 $0xFFFFC000  }
.LBB2_7:
0xc0: {  	[hbm4b:s23+s2] =	stream.linear.scatter [tilespmem:s20], [sflag:$0x3], $0x40, $0x38;
	[tilespmem:$0x11000] =	vst v63  }
0xc1: {  	s23 =	smov.u32 s21;
	s20 =	smov.u32 s22;
	p0 =	sne.s32 s21, $0x7F0  }
.Ltmp2:
0xc2: {  	s21 =	sadd.s32 $0x10, s21;
	(pc) =	sbr.rel @p0 .LBB2_7-.Ltmp2, $2  }
0xc3: {  	_ =	sdelay $0x2  }
0xc4: {  	s22 =	sadd.s32 $0x80, s22;
	s23 =	sadd.s32 s23, s19  }
0xc5: {  	[hbm4b:s23+s2] =	stream.linear.scatter [tilespmem:s20], [sflag:$0x3], $0x40, $0x38;
	[tilespmem:$0x11000] =	vst v63  }
0xc6: {  	s19 =	sadd.s32 $0x8, s19;
	_ =	swait.ge [sflag:s7], $0x2000  }
0xc7: {  	s20 =	simm.s32 $0xD000;
	s21 =	simm.s32 $0x10;
	[sflag:s7] =	ssyncset.done $0x0  }
0xc8: {  	s22 =	simm.s32 $0xD080;
	s23 =	sadd.s32 $0x0, s19;
	[sflag:s7] =	ssyncadd.s32 $0xFFFFE000  }
.LBB2_9:
0xc9: {  	[hbm4b:s23+s2] =	stream.linear.scatter [tilespmem:s20], [sflag:$0x3], $0x40, $0x38;
	[tilespmem:$0x11000] =	vst v63  }
0xca: {  	s23 =	smov.u32 s21;
	s20 =	smov.u32 s22;
	p0 =	sne.s32 s21, $0x7F0  }
.Ltmp3:
0xcb: {  	s21 =	sadd.s32 $0x10, s21;
	(pc) =	sbr.rel @p0 .LBB2_9-.Ltmp3, $2  }
0xcc: {  	_ =	sdelay $0x2  }
0xcd: {  	s22 =	sadd.s32 $0x80, s22;
	s23 =	sadd.s32 s23, s19  }
0xce: {  	s18 =	sadd.s32 $0x1, s18  }
0xcf: {  	p0 =	sne.s32 s18, $0x4  }
.Ltmp4:
0xd0: {  	_ = 	snop;
	(pc) =	sbr.rel @p0 .LBB2_2-.Ltmp4, $4  }
0xd1: {  	[hbm4b:s23+s2] =	stream.linear.scatter [tilespmem:s20], [sflag:$0x3], $0x40, $0x38;
	[tilespmem:$0x11000] =	vst v63  }
0xd2: {  	_ =	swait.ge [sflag:s7], $0x2000  }
0xd3: {  	[sflag:s7] =	ssyncset.done $0x0  }
0xd4: {  	[sflag:s7] =	ssyncadd.s32 $0xFFFFE000  }
0xd5: {  	s17 =	sadd.s32 $0x1, s17  }
0xd6: {  	p0 =	sne.s32 s17, s6  }
.Ltmp5:
0xd7: {  	_ = 	snop;
	(pc) =	sbr.rel @p0 .LBB2_1-.Ltmp5, $1  }
0xd8: {  	_ =	sdelay $0x3  }
0xd9: {  	_ =	sfence.sel $0x180000  }
0xda: {  	[bflag:$0x0] =	sbarrier.arrive $0xFFFF  }
0xdb: {  	p0 =	sne.s32 s1, $0x0;
	_ =	strace $0x90000047  }
0xdc: {  	s0 =	sadd.s32 @!p0 $0x100000, s0;
	[bflag:$0x2] =	sbarrier.arrive $0xFFFF  }
0xdd: {  	[sflag:s0] =	ssyncadd.tile.s32 @!p0 $0x1;
	_ =	shalt  }
.Lfunc_end2:
_tile_overlayer_lowered:
.L_overlay_start_2:
0xde: {  	(tag) =	ssettag $0x2  }
0xdf: {  	s0 =	rddreg [dreg:$0x0];
	s2 =	stileid.u32  }
0xe0: {  	s1 =	rddreg [dreg:$0x1];
	p0 =	sne.s32 s2, $0x0  }
0xe1: {  	s3 =	rddreg [dreg:$0x2];
	[bflag:$0x3] =	sbarrier.arrive $0xFFFF;
	s2 =	simm.s32 @!p0 $0x1C03  }
0xe2: {  	[timem:s3], [sflag:s2] =	dma.local @!p0 [hbm:s0], s1  }
0xe3: {  	s0 =	simm.s32 @!p0 $0x3  }
0xe4: {  	_ =	swait.ge @!p0 [sflag:s0], s1  }
0xe5: {  	s1 =	ssub.s32 @!p0 $0x0, s1;
	[sflag:s0] =	ssyncset.done @!p0 $0x0  }
0xe6: {  	[sflag:s0] =	ssyncadd.s32 @!p0 s1  }
0xe7: {  	[bflag:$0x3] =	sbarrier.arrive $0xFFFF  }
0xe8: {  	_ =	shalt  }

</sc_bundles>
